<compile_context>
chip_gen: v7x
topology: tpu7x:2x2x1
jax: 0.10.2.dev20260603
libtpu: 0.0.44.dev20260713+nightly
codegen_flags: <defaults>
</compile_context>

<pallas_src>
import jax
import jax.numpy as jnp
from jax import lax
from jax.experimental import pallas as pl
from jax.experimental.pallas import tpu as pltpu
from jax.experimental.pallas import tpu_sc as plsc

N_NODES = 10000
N_EDGES = 320000
D = 128
DH = D // 2
D_STREAM = 256
N_ACTIONS = 64

NC, NS = 2, 16
CHUNK = 128
RPW = 160
NROWS_TOT = RPW * NS
E_PAD = NROWS_TOT * CHUNK
DUMMY = N_NODES
AGG_ROWS = 10112
ZROWS = AGG_ROWS // NS
DEG_RPW = RPW // NC
DEGW = 8

_MESH = plsc.VectorSubcoreMesh(core_axis_name="c", subcore_axis_name="s")


NBUF = 5


def _sc1_body(x_hbm, srcq, dstq, z64, z16, ones_hbm, agg_out, deg_out,
              src_v, dst_v, r0, r1, r2, r3, r4, ones_v,
              agg_sh, deg_sh, g0, g1, g2, g3, g4):
    rows = (r0, r1, r2, r3, r4)
    sems = (g0, g1, g2, g3, g4)
    c = lax.axis_index("c")
    s = lax.axis_index("s")
    pltpu.sync_copy(z64.at[pl.ds(s * ZROWS, ZROWS)],
                    agg_sh.at[pl.ds(s * ZROWS, ZROWS)])
    pltpu.sync_copy(z16.at[pl.ds(s * ZROWS, ZROWS)],
                    deg_sh.at[pl.ds(s * ZROWS, ZROWS)])
    pltpu.sync_copy(ones_hbm, ones_v)
    pltpu.sync_copy(srcq.at[c, pl.ds(s * RPW, RPW)], src_v)
    pltpu.sync_copy(dstq.at[pl.ds(s * RPW, RPW)], dst_v)
    plsc.subcore_barrier()

    deg_lo = c * DEG_RPW
    for b in range(NBUF):
        pltpu.async_copy(x_hbm.at[src_v.at[b]], rows[b], sems[b])

    def group(g, carry):
        for b in range(NBUF):
            j = g * NBUF + b
            pltpu.make_async_copy(x_hbm.at[src_v.at[j]],
                                  rows[b], sems[b]).wait()
            pltpu.sync_copy(rows[b], agg_sh.at[dst_v.at[j]], add=True)

            @pl.when((j >= deg_lo) & (j < deg_lo + DEG_RPW))
            def _():
                pltpu.sync_copy(ones_v, deg_sh.at[dst_v.at[j]], add=True)

            @pl.when(j + NBUF < RPW)
            def _():
                pltpu.async_copy(x_hbm.at[src_v.at[j + NBUF]],
                                 rows[b], sems[b])

        return carry

    lax.fori_loop(0, RPW // NBUF, group, 0)
    plsc.subcore_barrier()
    pltpu.sync_copy(agg_sh.at[pl.ds(s * ZROWS, ZROWS)],
                    agg_out.at[c, pl.ds(s * ZROWS, ZROWS)])
    pltpu.sync_copy(deg_sh.at[pl.ds(s * ZROWS, ZROWS)],
                    deg_out.at[c, pl.ds(s * ZROWS, ZROWS)])


def _sc2_body(h_hbm, srcq, dstq, z64, agg_out,
              src_v, dst_v, r0, r1, r2, r3, r4, agg_sh,
              g0, g1, g2, g3, g4):
    rows = (r0, r1, r2, r3, r4)
    sems = (g0, g1, g2, g3, g4)
    c = lax.axis_index("c")
    s = lax.axis_index("s")
    pltpu.sync_copy(z64.at[pl.ds(s * ZROWS, ZROWS)],
                    agg_sh.at[pl.ds(s * ZROWS, ZROWS)])
    pltpu.sync_copy(srcq.at[c, pl.ds(s * RPW, RPW)], src_v)
    pltpu.sync_copy(dstq.at[pl.ds(s * RPW, RPW)], dst_v)
    plsc.subcore_barrier()

    for b in range(NBUF):
        pltpu.async_copy(h_hbm.at[src_v.at[b]], rows[b], sems[b])

    def group(g, carry):
        for b in range(NBUF):
            j = g * NBUF + b
            pltpu.make_async_copy(h_hbm.at[src_v.at[j]],
                                  rows[b], sems[b]).wait()
            pltpu.sync_copy(rows[b], agg_sh.at[dst_v.at[j]], add=True)

            @pl.when(j + NBUF < RPW)
            def _():
                pltpu.async_copy(h_hbm.at[src_v.at[j + NBUF]],
                                 rows[b], sems[b])

        return carry

    lax.fori_loop(0, RPW // NBUF, group, 0)
    plsc.subcore_barrier()
    pltpu.sync_copy(agg_sh.at[pl.ds(s * ZROWS, ZROWS)],
                    agg_out.at[c, pl.ds(s * ZROWS, ZROWS)])


_sc_layer1 = pl.kernel(
    _sc1_body,
    out_type=[
        jax.ShapeDtypeStruct((NC, AGG_ROWS, DH), jnp.float32),
        jax.ShapeDtypeStruct((NC, AGG_ROWS, DEGW), jnp.float32),
    ],
    mesh=_MESH,
    compiler_params=pltpu.CompilerParams(use_tc_tiling_on_sc=False),
    scratch_types=[
        pltpu.VMEM((RPW, CHUNK), jnp.int32),
        pltpu.VMEM((RPW, CHUNK), jnp.int32),
    ] + [pltpu.VMEM((CHUNK, DH), jnp.float32)] * NBUF + [
        pltpu.VMEM((CHUNK, DEGW), jnp.float32),
        pltpu.VMEM_SHARED((AGG_ROWS, DH), jnp.float32),
        pltpu.VMEM_SHARED((AGG_ROWS, DEGW), jnp.float32),
    ] + [pltpu.SemaphoreType.DMA] * NBUF,
)

_sc_layer2 = pl.kernel(
    _sc2_body,
    out_type=[jax.ShapeDtypeStruct((NC, AGG_ROWS, DH), jnp.float32)],
    mesh=_MESH,
    compiler_params=pltpu.CompilerParams(use_tc_tiling_on_sc=False),
    scratch_types=[
        pltpu.VMEM((RPW, CHUNK), jnp.int32),
        pltpu.VMEM((RPW, CHUNK), jnp.int32),
    ] + [pltpu.VMEM((CHUNK, DH), jnp.float32)] * NBUF + [
        pltpu.VMEM_SHARED((AGG_ROWS, DH), jnp.float32),
    ] + [pltpu.SemaphoreType.DMA] * NBUF,
)

BLK = 2000
GRID = N_NODES // BLK


def _tc1_body(agg_ref, deg_ref, w_ref, b_ref, o_ref):
    a = jnp.concatenate([agg_ref[0], agg_ref[1]], axis=1)
    deg = deg_ref[0] + deg_ref[1]
    deg = jnp.maximum(deg[:, 0:1], 1.0)
    h = jnp.maximum(
        jnp.dot(a / deg, w_ref[...], preferred_element_type=jnp.float32)
        + b_ref[...], 0.0)
    o_ref[0, :, :] = h[:, :DH]
    o_ref[1, :, :] = h[:, DH:]


def _tc2_body(agg_ref, deg_ref, w2, b2, wa1, ba1, wa2, ba2,
              wv1, bv1, wv2, bv2, q_ref, acc_ref):
    i = pl.program_id(0)
    a = jnp.concatenate([agg_ref[0], agg_ref[1]], axis=1)
    deg = deg_ref[0] + deg_ref[1]
    deg = jnp.maximum(deg[:, 0:1], 1.0)
    h = jnp.maximum(
        jnp.dot(a / deg, w2[...], preferred_element_type=jnp.float32)
        + b2[...], 0.0)
    part = jnp.sum(h, axis=0, keepdims=True)

    @pl.when(i == 0)
    def _():
        acc_ref[...] = part

    @pl.when(i > 0)
    def _():
        acc_ref[...] = acc_ref[...] + part

    @pl.when(i == pl.num_programs(0) - 1)
    def _():
        ge = acc_ref[...] * (1.0 / N_NODES)
        adv = jnp.maximum(
            jnp.dot(ge, wa1[...], preferred_element_type=jnp.float32)
            + ba1[...], 0.0)
        aq = (jnp.dot(adv, wa2[...], preferred_element_type=jnp.float32)
              + ba2[...])
        val = jnp.maximum(
            jnp.dot(ge, wv1[...], preferred_element_type=jnp.float32)
            + bv1[...], 0.0)
        v = (jnp.dot(val, wv2[...], preferred_element_type=jnp.float32)
             + bv2[...])
        q_ref[...] = v + aq - jnp.mean(aq)


_tc_layer1 = pl.pallas_call(
    _tc1_body,
    grid=(GRID,),
    in_specs=[
        pl.BlockSpec((2, BLK, DH), lambda i: (0, i, 0)),
        pl.BlockSpec((2, BLK, DEGW), lambda i: (0, i, 0)),
        pl.BlockSpec((D, D), lambda i: (0, 0)),
        pl.BlockSpec((1, D), lambda i: (0, 0)),
    ],
    out_specs=pl.BlockSpec((2, BLK, DH), lambda i: (0, i, 0)),
    out_shape=jax.ShapeDtypeStruct((2, N_NODES, DH), jnp.float32),
)

_tc_head = pl.pallas_call(
    _tc2_body,
    grid=(GRID,),
    in_specs=[
        pl.BlockSpec((2, BLK, DH), lambda i: (0, i, 0)),
        pl.BlockSpec((2, BLK, DEGW), lambda i: (0, i, 0)),
        pl.BlockSpec((D, D), lambda i: (0, 0)),
        pl.BlockSpec((1, D), lambda i: (0, 0)),
        pl.BlockSpec((D, D_STREAM), lambda i: (0, 0)),
        pl.BlockSpec((1, D_STREAM), lambda i: (0, 0)),
        pl.BlockSpec((D_STREAM, N_ACTIONS), lambda i: (0, 0)),
        pl.BlockSpec((1, N_ACTIONS), lambda i: (0, 0)),
        pl.BlockSpec((D, D_STREAM), lambda i: (0, 0)),
        pl.BlockSpec((1, D_STREAM), lambda i: (0, 0)),
        pl.BlockSpec((D_STREAM, 1), lambda i: (0, 0)),
        pl.BlockSpec((1, 1), lambda i: (0, 0)),
    ],
    out_specs=pl.BlockSpec((1, N_ACTIONS), lambda i: (0, 0)),
    out_shape=jax.ShapeDtypeStruct((1, N_ACTIONS), jnp.float32),
    scratch_shapes=[pltpu.VMEM((1, D), jnp.float32)],
)


def kernel(x, edge_index, W1, b1, W2, b2, Wa1, ba1, Wa2, ba2,
           Wv1, bv1, Wv2, bv2):
    src = edge_index[0].astype(jnp.int32)
    dst = edge_index[1].astype(jnp.int32)
    pad = E_PAD - N_EDGES
    srcq = jnp.concatenate([src, jnp.zeros((pad,), jnp.int32)])
    dstq = jnp.concatenate([dst, jnp.full((pad,), DUMMY, jnp.int32)])
    srcq = srcq.reshape(NROWS_TOT, CHUNK)
    dstq = dstq.reshape(NROWS_TOT, CHUNK)
    srcq2 = jnp.stack([srcq, srcq + N_NODES])
    z64 = jnp.zeros((AGG_ROWS, DH), jnp.float32)
    z16 = jnp.zeros((AGG_ROWS, DEGW), jnp.float32)
    ones16 = jnp.ones((CHUNK, DEGW), jnp.float32)
    x_cat = jnp.concatenate([x[:, :DH], x[:, DH:]], axis=0)

    agg1, degm = _sc_layer1(x_cat, srcq2, dstq, z64, z16, ones16)
    h1 = _tc_layer1(agg1, degm, W1, b1.reshape(1, D))
    h1_cat = h1.reshape(2 * N_NODES, DH)
    (agg2,) = _sc_layer2(h1_cat, srcq2, dstq, z64)
    q = _tc_head(agg2, degm, W2, b2.reshape(1, D),
                 Wa1, ba1.reshape(1, D_STREAM), Wa2, ba2.reshape(1, N_ACTIONS),
                 Wv1, bv1.reshape(1, D_STREAM), Wv2, bv2.reshape(1, 1))
    return q

# --- scband reference (transcript-rebuilt; emitter-appended) ---
"""Pipeline reference for scband-dueling-net-16621523435919 (READ-ONLY COPY).

The authoritative reference and input builder live on the scoring server;
editing this copy changes nothing except your own understanding.
"""

import jax, jax.numpy as jnp
import numpy as np

N_NODES = 10000
N_EDGES = 320000
D_FEAT = 128
D_HID = 128
D_STREAM = 256
N_ACTIONS = 64


def _glorot(key, shape):
    fan_in, fan_out = shape[0], shape[1]
    lim = jnp.sqrt(6.0 / (fan_in + fan_out))
    return jax.random.uniform(key, shape, minval=-lim, maxval=lim, dtype=jnp.float32)


def setup_inputs(seed: int = 0) -> dict:
    key = jax.random.key(seed)
    ks = jax.random.split(key, 16)
    x = jax.random.normal(ks[0], (N_NODES, D_FEAT), dtype=jnp.float32)
    edge_index = jax.random.randint(ks[1], (2, N_EDGES), 0, N_NODES, dtype=jnp.int64)
    return {
        "x": x,
        "edge_index": edge_index,
        "W1": _glorot(ks[2], (D_FEAT, D_HID)),
        "b1": jnp.zeros((D_HID,), dtype=jnp.float32),
        "W2": _glorot(ks[3], (D_HID, D_HID)),
        "b2": jnp.zeros((D_HID,), dtype=jnp.float32),
        "Wa1": _glorot(ks[4], (D_HID, D_STREAM)),
        "ba1": jnp.zeros((D_STREAM,), dtype=jnp.float32),
        "Wa2": _glorot(ks[5], (D_STREAM, N_ACTIONS)),
        "ba2": jnp.zeros((N_ACTIONS,), dtype=jnp.float32),
        "Wv1": _glorot(ks[6], (D_HID, D_STREAM)),
        "bv1": jnp.zeros((D_STREAM,), dtype=jnp.float32),
        "Wv2": _glorot(ks[7], (D_STREAM, 1)),
        "bv2": jnp.zeros((1,), dtype=jnp.float32),
    }


def _gcn_layer(h, src, dst, W, b, n_nodes):
    msgs = jnp.take(h, src, axis=0)                      # gather: [E, d]
    agg = jnp.zeros((n_nodes, h.shape[1]), dtype=h.dtype).at[dst].add(msgs)  # scatter-add
    deg = jnp.zeros((n_nodes,), dtype=h.dtype).at[dst].add(1.0)
    deg = jnp.maximum(deg, 1.0)
    agg = agg / deg[:, None]
    return jax.nn.relu(agg @ W + b)


def reference(x, edge_index, W1, b1, W2, b2, Wa1, ba1, Wa2, ba2, Wv1, bv1, Wv2, bv2):
    src, dst = edge_index[0], edge_index[1]
    n_nodes = x.shape[0]
    # GCN embedding (2 mean-aggregation graph conv layers)
    h = _gcn_layer(x, src, dst, W1, b1, n_nodes)
    h = _gcn_layer(h, src, dst, W2, b2, n_nodes)
    # graph-level embedding: mean over nodes (dgl.mean_nodes, single graph batch)
    graph_embedding = jnp.mean(h, axis=0, keepdims=True)  # [1, D_HID]
    # value stream
    v = jax.nn.relu(graph_embedding @ Wv1 + bv1) @ Wv2 + bv2      # [1, 1]
    # advantage stream
    a = jax.nn.relu(graph_embedding @ Wa1 + ba1) @ Wa2 + ba2      # [1, N_ACTIONS]
    q_values = v + (a - a.mean())
    return q_values

if __name__ == "__main__":
    import jax
    _d = setup_inputs()
    print(jax.jit(kernel)(*tuple(_d.values())))

</pallas_src>

<mosaic_0001>
#map = affine_map<(d0, d1) -> (0, 0)>
#map1 = affine_map<(d0, d1) -> (0, 0, 0)>
module attributes {stable_mosaic.version = 14 : i64} {
  func.func @_sc1_body(%arg0: i32, %arg1: i32, %arg2: memref<20000x64xf32, #tpu.memory_space<hbm>>, %arg3: memref<2x2560x128xi32, #tpu.memory_space<hbm>>, %arg4: memref<2560x128xi32, #tpu.memory_space<hbm>>, %arg5: memref<10112x64xf32, #tpu.memory_space<hbm>>, %arg6: memref<10112x8xf32, #tpu.memory_space<hbm>>, %arg7: memref<128x8xf32, #tpu.memory_space<hbm>>, %arg8: memref<2x10112x64xf32, #tpu.memory_space<hbm>>, %arg9: memref<2x10112x8xf32, #tpu.memory_space<hbm>>, %arg10: memref<160x128xi32, #tpu.memory_space<vmem>>, %arg11: memref<160x128xi32, #tpu.memory_space<vmem>>, %arg12: memref<128x64xf32, #tpu.memory_space<vmem>>, %arg13: memref<128x64xf32, #tpu.memory_space<vmem>>, %arg14: memref<128x64xf32, #tpu.memory_space<vmem>>, %arg15: memref<128x64xf32, #tpu.memory_space<vmem>>, %arg16: memref<128x64xf32, #tpu.memory_space<vmem>>, %arg17: memref<128x8xf32, #tpu.memory_space<vmem>>, %arg18: memref<10112x64xf32, #tpu.memory_space<vmem_shared>>, %arg19: memref<10112x8xf32, #tpu.memory_space<vmem_shared>>, %arg20: memref<!tpu.dma_semaphore, #tpu.memory_space<semaphore_mem>>, %arg21: memref<!tpu.dma_semaphore, #tpu.memory_space<semaphore_mem>>, %arg22: memref<!tpu.dma_semaphore, #tpu.memory_space<semaphore_mem>>, %arg23: memref<!tpu.dma_semaphore, #tpu.memory_space<semaphore_mem>>, %arg24: memref<!tpu.dma_semaphore, #tpu.memory_space<semaphore_mem>>) attributes {dimension_semantics = [#tpu.dimension_semantics<core_parallel>, #tpu.dimension_semantics<subcore_parallel>], iteration_bounds = array<i64: 2, 16>, scalar_prefetch = 0 : i64, scratch_operands = 15 : i64, tpu.core_type = #tpu.core_type<sc_vector_subcore>, window_params = [{transform_indices = #map}, {transform_indices = #map1}, {transform_indices = #map}, {transform_indices = #map}, {transform_indices = #map}, {transform_indices = #map}, {transform_indices = #map1}, {transform_indices = #map1}]} {
    %mul3A = arith.constant 632 : i32
    %mul3A_0 = arith.muli %arg1, %mul3A : i32
    %mul3A_1 = arith.constant 632 : i32
    %mul3A_2 = arith.muli %arg1, %mul3A_1 : i32
    "tpu.region"() ({
      %run_scoped3A = tpu.sem_alloc : memref<!tpu.dma_semaphore, #tpu.memory_space<semaphore_mem>>
      %dma_start3A_61 = arith.constant 0 : i32
      %dma_start3A_62 = tpu.memref_slice %arg18[%mul3A_2, %dma_start3A_61] : memref<10112x64xf32, #tpu.memory_space<vmem_shared>> -> memref<632x64xf32, #tpu.memory_space<vmem_shared>>
      %dma_start3A_63 = arith.constant 0 : i32
      %dma_start3A_64 = tpu.memref_slice %arg5[%mul3A_0, %dma_start3A_63] : memref<10112x64xf32, #tpu.memory_space<hbm>> -> memref<632x64xf32, #tpu.memory_space<hbm>>
      tpu.enqueue_dma source(%dma_start3A_64 : memref<632x64xf32, #tpu.memory_space<hbm>>) target(%dma_start3A_62 : memref<632x64xf32, #tpu.memory_space<vmem_shared>>) target_semaphore(%run_scoped3A : memref<!tpu.dma_semaphore, #tpu.memory_space<semaphore_mem>>)
      %dma_wait3A = arith.constant 0 : i32
      %dma_wait3A_65 = tpu.memref_slice %arg18[%mul3A_2, %dma_wait3A] : memref<10112x64xf32, #tpu.memory_space<vmem_shared>> -> memref<632x64xf32, #tpu.memory_space<vmem_shared>>
      %dma_wait3A_66 = arith.constant 0 : i32
      %dma_wait3A_67 = tpu.memref_slice %arg5[%mul3A_0, %dma_wait3A_66] : memref<10112x64xf32, #tpu.memory_space<hbm>> -> memref<632x64xf32, #tpu.memory_space<hbm>>
      tpu.wait_dma2 semaphore(%run_scoped3A : memref<!tpu.dma_semaphore, #tpu.memory_space<semaphore_mem>>) src(%dma_wait3A_67 : memref<632x64xf32, #tpu.memory_space<hbm>>) dst(%dma_wait3A_65 : memref<632x64xf32, #tpu.memory_space<vmem_shared>>)
      tpu.yield
    }) : () -> ()
    %mul3A_3 = arith.constant 632 : i32
    %mul3A_4 = arith.muli %arg1, %mul3A_3 : i32
    %mul3A_5 = arith.constant 632 : i32
    %mul3A_6 = arith.muli %arg1, %mul3A_5 : i32
    "tpu.region"() ({
      %run_scoped3A = tpu.sem_alloc : memref<!tpu.dma_semaphore, #tpu.memory_space<semaphore_mem>>
      %dma_start3A_61 = arith.constant 0 : i32
      %dma_start3A_62 = tpu.memref_slice %arg19[%mul3A_6, %dma_start3A_61] : memref<10112x8xf32, #tpu.memory_space<vmem_shared>> -> memref<632x8xf32, #tpu.memory_space<vmem_shared>>
      %dma_start3A_63 = arith.constant 0 : i32
      %dma_start3A_64 = tpu.memref_slice %arg6[%mul3A_4, %dma_start3A_63] : memref<10112x8xf32, #tpu.memory_space<hbm>> -> memref<632x8xf32, #tpu.memory_space<hbm>>
      tpu.enqueue_dma source(%dma_start3A_64 : memref<632x8xf32, #tpu.memory_space<hbm>>) target(%dma_start3A_62 : memref<632x8xf32, #tpu.memory_space<vmem_shared>>) target_semaphore(%run_scoped3A : memref<!tpu.dma_semaphore, #tpu.memory_space<semaphore_mem>>)
      %dma_wait3A = arith.constant 0 : i32
      %dma_wait3A_65 = tpu.memref_slice %arg19[%mul3A_6, %dma_wait3A] : memref<10112x8xf32, #tpu.memory_space<vmem_shared>> -> memref<632x8xf32, #tpu.memory_space<vmem_shared>>
      %dma_wait3A_66 = arith.constant 0 : i32
      %dma_wait3A_67 = tpu.memref_slice %arg6[%mul3A_4, %dma_wait3A_66] : memref<10112x8xf32, #tpu.memory_space<hbm>> -> memref<632x8xf32, #tpu.memory_space<hbm>>
      tpu.wait_dma2 semaphore(%run_scoped3A : memref<!tpu.dma_semaphore, #tpu.memory_space<semaphore_mem>>) src(%dma_wait3A_67 : memref<632x8xf32, #tpu.memory_space<hbm>>) dst(%dma_wait3A_65 : memref<632x8xf32, #tpu.memory_space<vmem_shared>>)
      tpu.yield
    }) : () -> ()
    "tpu.region"() ({
      %run_scoped3A = tpu.sem_alloc : memref<!tpu.dma_semaphore, #tpu.memory_space<semaphore_mem>>
      tpu.enqueue_dma source(%arg7 : memref<128x8xf32, #tpu.memory_space<hbm>>) target(%arg17 : memref<128x8xf32, #tpu.memory_space<vmem>>) target_semaphore(%run_scoped3A : memref<!tpu.dma_semaphore, #tpu.memory_space<semaphore_mem>>)
      tpu.wait_dma2 semaphore(%run_scoped3A : memref<!tpu.dma_semaphore, #tpu.memory_space<semaphore_mem>>) src(%arg7 : memref<128x8xf32, #tpu.memory_space<hbm>>) dst(%arg17 : memref<128x8xf32, #tpu.memory_space<vmem>>)
      tpu.yield
    }) : () -> ()
    %mul3A_7 = arith.constant 160 : i32
    %mul3A_8 = arith.muli %arg1, %mul3A_7 : i32
    "tpu.region"() ({
      %run_scoped3A = tpu.sem_alloc : memref<!tpu.dma_semaphore, #tpu.memory_space<semaphore_mem>>
      %dma_start3A_61 = arith.constant 0 : i32
      %dma_start3A_62 = tpu.memref_slice %arg3[%arg0, %mul3A_8, %dma_start3A_61] : memref<2x2560x128xi32, #tpu.memory_space<hbm>> -> memref<1x160x128xi32, #tpu.memory_space<hbm>>
      %dma_start3A_63 = tpu.memref_squeeze %dma_start3A_62 : memref<1x160x128xi32, #tpu.memory_space<hbm>> -> memref<160x128xi32, #tpu.memory_space<hbm>>
      %dma_start3A_64 = arith.constant 0 : i32
      %dma_start3A_65 = tpu.memref_slice %arg3[%arg0, %mul3A_8, %dma_start3A_64] : memref<2x2560x128xi32, #tpu.memory_space<hbm>> -> memref<1x160x128xi32, #tpu.memory_space<hbm>>
      %dma_start3A_66 = tpu.memref_squeeze %dma_start3A_65 : memref<1x160x128xi32, #tpu.memory_space<hbm>> -> memref<160x128xi32, #tpu.memory_space<hbm>>
      tpu.enqueue_dma source(%dma_start3A_66 : memref<160x128xi32, #tpu.memory_space<hbm>>) target(%arg10 : memref<160x128xi32, #tpu.memory_space<vmem>>) target_semaphore(%run_scoped3A : memref<!tpu.dma_semaphore, #tpu.memory_space<semaphore_mem>>)
      %dma_wait3A = arith.constant 0 : i32
      %dma_wait3A_67 = tpu.memref_slice %arg3[%arg0, %mul3A_8, %dma_wait3A] : memref<2x2560x128xi32, #tpu.memory_space<hbm>> -> memref<1x160x128xi32, #tpu.memory_space<hbm>>
      %dma_wait3A_68 = tpu.memref_squeeze %dma_wait3A_67 : memref<1x160x128xi32, #tpu.memory_space<hbm>> -> memref<160x128xi32, #tpu.memory_space<hbm>>
      %dma_wait3A_69 = arith.constant 0 : i32
      %dma_wait3A_70 = tpu.memref_slice %arg3[%arg0, %mul3A_8, %dma_wait3A_69] : memref<2x2560x128xi32, #tpu.memory_space<hbm>> -> memref<1x160x128xi32, #tpu.memory_space<hbm>>
      %dma_wait3A_71 = tpu.memref_squeeze %dma_wait3A_70 : memref<1x160x128xi32, #tpu.memory_space<hbm>> -> memref<160x128xi32, #tpu.memory_space<hbm>>
      tpu.wait_dma2 semaphore(%run_scoped3A : memref<!tpu.dma_semaphore, #tpu.memory_space<semaphore_mem>>) src(%dma_wait3A_71 : memref<160x128xi32, #tpu.memory_space<hbm>>) dst(%arg10 : memref<160x128xi32, #tpu.memory_space<vmem>>)
      tpu.yield
    }) : () -> ()
    %mul3A_9 = arith.constant 160 : i32
    %mul3A_10 = arith.muli %arg1, %mul3A_9 : i32
    "tpu.region"() ({
      %run_scoped3A = tpu.sem_alloc : memref<!tpu.dma_semaphore, #tpu.memory_space<semaphore_mem>>
      %dma_start3A_61 = arith.constant 0 : i32
      %dma_start3A_62 = tpu.memref_slice %arg4[%mul3A_10, %dma_start3A_61] : memref<2560x128xi32, #tpu.memory_space<hbm>> -> memref<160x128xi32, #tpu.memory_space<hbm>>
      %dma_start3A_63 = arith.constant 0 : i32
      %dma_start3A_64 = tpu.memref_slice %arg4[%mul3A_10, %dma_start3A_63] : memref<2560x128xi32, #tpu.memory_space<hbm>> -> memref<160x128xi32, #tpu.memory_space<hbm>>
      tpu.enqueue_dma source(%dma_start3A_64 : memref<160x128xi32, #tpu.memory_space<hbm>>) target(%arg11 : memref<160x128xi32, #tpu.memory_space<vmem>>) target_semaphore(%run_scoped3A : memref<!tpu.dma_semaphore, #tpu.memory_space<semaphore_mem>>)
      %dma_wait3A = arith.constant 0 : i32
      %dma_wait3A_65 = tpu.memref_slice %arg4[%mul3A_10, %dma_wait3A] : memref<2560x128xi32, #tpu.memory_space<hbm>> -> memref<160x128xi32, #tpu.memory_space<hbm>>
      %dma_wait3A_66 = arith.constant 0 : i32
      %dma_wait3A_67 = tpu.memref_slice %arg4[%mul3A_10, %dma_wait3A_66] : memref<2560x128xi32, #tpu.memory_space<hbm>> -> memref<160x128xi32, #tpu.memory_space<hbm>>
      tpu.wait_dma2 semaphore(%run_scoped3A : memref<!tpu.dma_semaphore, #tpu.memory_space<semaphore_mem>>) src(%dma_wait3A_67 : memref<160x128xi32, #tpu.memory_space<hbm>>) dst(%arg11 : memref<160x128xi32, #tpu.memory_space<vmem>>)
      tpu.yield
    }) : () -> ()
    %barrier3A = arith.constant 0 : index
    tpu.barrier barrier_id(%barrier3A)
    %mul3A_11 = arith.constant 80 : i32
    %mul3A_12 = arith.muli %arg0, %mul3A_11 : i32
    %dma_start3A = arith.constant 0 : i32
    %dma_start3A_13 = arith.constant 0 : i32
    %dma_start3A_14 = tpu.memref_slice %arg10[%dma_start3A, %dma_start3A_13] : memref<160x128xi32, #tpu.memory_space<vmem>> -> memref<1x128xi32, #tpu.memory_space<vmem>>
    %dma_start3A_15 = tpu.memref_squeeze %dma_start3A_14 : memref<1x128xi32, #tpu.memory_space<vmem>> -> memref<128xi32, #tpu.memory_space<vmem>>
    %dma_start3A_16 = arith.constant 0 : i32
    %dma_start3A_17 = arith.constant 0 : i32
    %dma_start3A_18 = tpu.memref_slice %arg2[%dma_start3A_16, %dma_start3A_17] : memref<20000x64xf32, #tpu.memory_space<hbm>> -> memref<20000x64xf32, #tpu.memory_space<hbm>>
    tpu.enqueue_indirect_dma source(%dma_start3A_18 : memref<20000x64xf32, #tpu.memory_space<hbm>>) target(%arg12 : memref<128x64xf32, #tpu.memory_space<vmem>>) offsets(%dma_start3A_15 : memref<128xi32, #tpu.memory_space<vmem>>) semaphore(%arg20 : memref<!tpu.dma_semaphore, #tpu.memory_space<semaphore_mem>>)
    %dma_start3A_19 = arith.constant 1 : i32
    %dma_start3A_20 = arith.constant 0 : i32
    %dma_start3A_21 = tpu.memref_slice %arg10[%dma_start3A_19, %dma_start3A_20] : memref<160x128xi32, #tpu.memory_space<vmem>> -> memref<1x128xi32, #tpu.memory_space<vmem>>
    %dma_start3A_22 = tpu.memref_squeeze %dma_start3A_21 : memref<1x128xi32, #tpu.memory_space<vmem>> -> memref<128xi32, #tpu.memory_space<vmem>>
    %dma_start3A_23 = arith.constant 0 : i32
    %dma_start3A_24 = arith.constant 0 : i32
    %dma_start3A_25 = tpu.memref_slice %arg2[%dma_start3A_23, %dma_start3A_24] : memref<20000x64xf32, #tpu.memory_space<hbm>> -> memref<20000x64xf32, #tpu.memory_space<hbm>>
    tpu.enqueue_indirect_dma source(%dma_start3A_25 : memref<20000x64xf32, #tpu.memory_space<hbm>>) target(%arg13 : memref<128x64xf32, #tpu.memory_space<vmem>>) offsets(%dma_start3A_22 : memref<128xi32, #tpu.memory_space<vmem>>) semaphore(%arg21 : memref<!tpu.dma_semaphore, #tpu.memory_space<semaphore_mem>>)
    %dma_start3A_26 = arith.constant 2 : i32
    %dma_start3A_27 = arith.constant 0 : i32
    %dma_start3A_28 = tpu.memref_slice %arg10[%dma_start3A_26, %dma_start3A_27] : memref<160x128xi32, #tpu.memory_space<vmem>> -> memref<1x128xi32, #tpu.memory_space<vmem>>
    %dma_start3A_29 = tpu.memref_squeeze %dma_start3A_28 : memref<1x128xi32, #tpu.memory_space<vmem>> -> memref<128xi32, #tpu.memory_space<vmem>>
    %dma_start3A_30 = arith.constant 0 : i32
    %dma_start3A_31 = arith.constant 0 : i32
    %dma_start3A_32 = tpu.memref_slice %arg2[%dma_start3A_30, %dma_start3A_31] : memref<20000x64xf32, #tpu.memory_space<hbm>> -> memref<20000x64xf32, #tpu.memory_space<hbm>>
    tpu.enqueue_indirect_dma source(%dma_start3A_32 : memref<20000x64xf32, #tpu.memory_space<hbm>>) target(%arg14 : memref<128x64xf32, #tpu.memory_space<vmem>>) offsets(%dma_start3A_29 : memref<128xi32, #tpu.memory_space<vmem>>) semaphore(%arg22 : memref<!tpu.dma_semaphore, #tpu.memory_space<semaphore_mem>>)
    %dma_start3A_33 = arith.constant 3 : i32
    %dma_start3A_34 = arith.constant 0 : i32
    %dma_start3A_35 = tpu.memref_slice %arg10[%dma_start3A_33, %dma_start3A_34] : memref<160x128xi32, #tpu.memory_space<vmem>> -> memref<1x128xi32, #tpu.memory_space<vmem>>
    %dma_start3A_36 = tpu.memref_squeeze %dma_start3A_35 : memref<1x128xi32, #tpu.memory_space<vmem>> -> memref<128xi32, #tpu.memory_space<vmem>>
    %dma_start3A_37 = arith.constant 0 : i32
    %dma_start3A_38 = arith.constant 0 : i32
    %dma_start3A_39 = tpu.memref_slice %arg2[%dma_start3A_37, %dma_start3A_38] : memref<20000x64xf32, #tpu.memory_space<hbm>> -> memref<20000x64xf32, #tpu.memory_space<hbm>>
    tpu.enqueue_indirect_dma source(%dma_start3A_39 : memref<20000x64xf32, #tpu.memory_space<hbm>>) target(%arg15 : memref<128x64xf32, #tpu.memory_space<vmem>>) offsets(%dma_start3A_36 : memref<128xi32, #tpu.memory_space<vmem>>) semaphore(%arg23 : memref<!tpu.dma_semaphore, #tpu.memory_space<semaphore_mem>>)
    %dma_start3A_40 = arith.constant 4 : i32
    %dma_start3A_41 = arith.constant 0 : i32
    %dma_start3A_42 = tpu.memref_slice %arg10[%dma_start3A_40, %dma_start3A_41] : memref<160x128xi32, #tpu.memory_space<vmem>> -> memref<1x128xi32, #tpu.memory_space<vmem>>
    %dma_start3A_43 = tpu.memref_squeeze %dma_start3A_42 : memref<1x128xi32, #tpu.memory_space<vmem>> -> memref<128xi32, #tpu.memory_space<vmem>>
    %dma_start3A_44 = arith.constant 0 : i32
    %dma_start3A_45 = arith.constant 0 : i32
    %dma_start3A_46 = tpu.memref_slice %arg2[%dma_start3A_44, %dma_start3A_45] : memref<20000x64xf32, #tpu.memory_space<hbm>> -> memref<20000x64xf32, #tpu.memory_space<hbm>>
    tpu.enqueue_indirect_dma source(%dma_start3A_46 : memref<20000x64xf32, #tpu.memory_space<hbm>>) target(%arg16 : memref<128x64xf32, #tpu.memory_space<vmem>>) offsets(%dma_start3A_43 : memref<128xi32, #tpu.memory_space<vmem>>) semaphore(%arg24 : memref<!tpu.dma_semaphore, #tpu.memory_space<semaphore_mem>>)
    %scan3A = arith.constant 0 : i32
    %scan3A_47 = arith.constant 0 : i32
    %scan3A_48 = arith.constant 32 : i32
    %scan3A_49 = arith.addi %scan3A_47, %scan3A_48 : i32
    %scan3A_50 = arith.constant 1 : i32
    scf.for %scan3A_61 = %scan3A_47 to %scan3A_49 step %scan3A_50  : i32 {
      %mul3A_62 = arith.constant 5 : i32
      %mul3A_63 = arith.muli %scan3A_61, %mul3A_62 : i32
      %add3A = arith.constant 0 : i32
      %add3A_64 = arith.addi %mul3A_63, %add3A : i32
      %dma_wait3A = arith.constant 0 : i32
      %dma_wait3A_65 = tpu.memref_slice %arg10[%add3A_64, %dma_wait3A] : memref<160x128xi32, #tpu.memory_space<vmem>> -> memref<1x128xi32, #tpu.memory_space<vmem>>
      %dma_wait3A_66 = tpu.memref_squeeze %dma_wait3A_65 : memref<1x128xi32, #tpu.memory_space<vmem>> -> memref<128xi32, #tpu.memory_space<vmem>>
      %dma_wait3A_67 = arith.constant 0 : i32
      %dma_wait3A_68 = arith.constant 0 : i32
      %dma_wait3A_69 = tpu.memref_slice %arg2[%dma_wait3A_67, %dma_wait3A_68] : memref<20000x64xf32, #tpu.memory_space<hbm>> -> memref<20000x64xf32, #tpu.memory_space<hbm>>
      tpu.wait_indirect_dma semaphore(%arg20 : memref<!tpu.dma_semaphore, #tpu.memory_space<semaphore_mem>>) src(%dma_wait3A_69 : memref<20000x64xf32, #tpu.memory_space<hbm>>) dst(%arg12 : memref<128x64xf32, #tpu.memory_space<vmem>>)
      "tpu.region"() ({
        %run_scoped3A = tpu.sem_alloc : memref<!tpu.dma_semaphore, #tpu.memory_space<semaphore_mem>>
        %dma_start3A_180 = arith.constant 0 : i32
        %dma_start3A_181 = tpu.memref_slice %arg11[%add3A_64, %dma_start3A_180] : memref<160x128xi32, #tpu.memory_space<vmem>> -> memref<1x128xi32, #tpu.memory_space<vmem>>
        %dma_start3A_182 = tpu.memref_squeeze %dma_start3A_181 : memref<1x128xi32, #tpu.memory_space<vmem>> -> memref<128xi32, #tpu.memory_space<vmem>>
        %dma_start3A_183 = arith.constant 0 : i32
        %dma_start3A_184 = arith.constant 0 : i32
        %dma_start3A_185 = tpu.memref_slice %arg18[%dma_start3A_183, %dma_start3A_184] : memref<10112x64xf32, #tpu.memory_space<vmem_shared>> -> memref<10112x64xf32, #tpu.memory_space<vmem_shared>>
        tpu.enqueue_indirect_dma source(%arg12 : memref<128x64xf32, #tpu.memory_space<vmem>>) target(%dma_start3A_185 : memref<10112x64xf32, #tpu.memory_space<vmem_shared>>) offsets(%dma_start3A_182 : memref<128xi32, #tpu.memory_space<vmem>>) semaphore(%run_scoped3A : memref<!tpu.dma_semaphore, #tpu.memory_space<semaphore_mem>>) {add = true}
        %dma_wait3A_186 = arith.constant 0 : i32
        %dma_wait3A_187 = tpu.memref_slice %arg11[%add3A_64, %dma_wait3A_186] : memref<160x128xi32, #tpu.memory_space<vmem>> -> memref<1x128xi32, #tpu.memory_space<vmem>>
        %dma_wait3A_188 = tpu.memref_squeeze %dma_wait3A_187 : memref<1x128xi32, #tpu.memory_space<vmem>> -> memref<128xi32, #tpu.memory_space<vmem>>
        %dma_wait3A_189 = arith.constant 0 : i32
        %dma_wait3A_190 = arith.constant 0 : i32
        %dma_wait3A_191 = tpu.memref_slice %arg18[%dma_wait3A_189, %dma_wait3A_190] : memref<10112x64xf32, #tpu.memory_space<vmem_shared>> -> memref<10112x64xf32, #tpu.memory_space<vmem_shared>>
        tpu.wait_indirect_dma semaphore(%run_scoped3A : memref<!tpu.dma_semaphore, #tpu.memory_space<semaphore_mem>>) src(%arg12 : memref<128x64xf32, #tpu.memory_space<vmem>>) dst(%dma_wait3A_191 : memref<10112x64xf32, #tpu.memory_space<vmem_shared>>)
        tpu.yield
      }) : () -> ()
      %ge3A = arith.cmpi sge, %add3A_64, %mul3A_12 : i32
      %add3A_70 = arith.constant 80 : i32
      %add3A_71 = arith.addi %mul3A_12, %add3A_70 : i32
      %lt3A = arith.cmpi slt, %add3A_64, %add3A_71 : i32
      %and3A = arith.andi %ge3A, %lt3A : i1
      %convert_element_type3A = arith.extui %and3A : i1 to i32
      %cond3A = arith.constant 0 : i32
      %cond3A_72 = arith.cmpi ne, %convert_element_type3A, %cond3A : i32
      scf.if %cond3A_72 {
        "tpu.region"() ({
          %run_scoped3A = tpu.sem_alloc : memref<!tpu.dma_semaphore, #tpu.memory_space<semaphore_mem>>
          %dma_start3A_180 = arith.constant 0 : i32
          %dma_start3A_181 = tpu.memref_slice %arg11[%add3A_64, %dma_start3A_180] : memref<160x128xi32, #tpu.memory_space<vmem>> -> memref<1x128xi32, #tpu.memory_space<vmem>>
          %dma_start3A_182 = tpu.memref_squeeze %dma_start3A_181 : memref<1x128xi32, #tpu.memory_space<vmem>> -> memref<128xi32, #tpu.memory_space<vmem>>
          %dma_start3A_183 = arith.constant 0 : i32
          %dma_start3A_184 = arith.constant 0 : i32
          %dma_start3A_185 = tpu.memref_slice %arg19[%dma_start3A_183, %dma_start3A_184] : memref<10112x8xf32, #tpu.memory_space<vmem_shared>> -> memref<10112x8xf32, #tpu.memory_space<vmem_shared>>
          tpu.enqueue_indirect_dma source(%arg17 : memref<128x8xf32, #tpu.memory_space<vmem>>) target(%dma_start3A_185 : memref<10112x8xf32, #tpu.memory_space<vmem_shared>>) offsets(%dma_start3A_182 : memref<128xi32, #tpu.memory_space<vmem>>) semaphore(%run_scoped3A : memref<!tpu.dma_semaphore, #tpu.memory_space<semaphore_mem>>) {add = true}
          %dma_wait3A_186 = arith.constant 0 : i32
          %dma_wait3A_187 = tpu.memref_slice %arg11[%add3A_64, %dma_wait3A_186] : memref<160x128xi32, #tpu.memory_space<vmem>> -> memref<1x128xi32, #tpu.memory_space<vmem>>
          %dma_wait3A_188 = tpu.memref_squeeze %dma_wait3A_187 : memref<1x128xi32, #tpu.memory_space<vmem>> -> memref<128xi32, #tpu.memory_space<vmem>>
          %dma_wait3A_189 = arith.constant 0 : i32
          %dma_wait3A_190 = arith.constant 0 : i32
          %dma_wait3A_191 = tpu.memref_slice %arg19[%dma_wait3A_189, %dma_wait3A_190] : memref<10112x8xf32, #tpu.memory_space<vmem_shared>> -> memref<10112x8xf32, #tpu.memory_space<vmem_shared>>
          tpu.wait_indirect_dma semaphore(%run_scoped3A : memref<!tpu.dma_semaphore, #tpu.memory_space<semaphore_mem>>) src(%arg17 : memref<128x8xf32, #tpu.memory_space<vmem>>) dst(%dma_wait3A_191 : memref<10112x8xf32, #tpu.memory_space<vmem_shared>>)
          tpu.yield
        }) : () -> ()
      } else {
      }
      %add3A_73 = arith.constant 5 : i32
      %add3A_74 = arith.addi %add3A_64, %add3A_73 : i32
      %lt3A_75 = arith.constant 160 : i32
      %lt3A_76 = arith.cmpi slt, %add3A_74, %lt3A_75 : i32
      %convert_element_type3A_77 = arith.extui %lt3A_76 : i1 to i32
      %cond3A_78 = arith.constant 0 : i32
      %cond3A_79 = arith.cmpi ne, %convert_element_type3A_77, %cond3A_78 : i32
      scf.if %cond3A_79 {
        %add3A_180 = arith.constant 5 : i32
        %add3A_181 = arith.addi %add3A_64, %add3A_180 : i32
        %dma_start3A_182 = arith.constant 0 : i32
        %dma_start3A_183 = tpu.memref_slice %arg10[%add3A_181, %dma_start3A_182] : memref<160x128xi32, #tpu.memory_space<vmem>> -> memref<1x128xi32, #tpu.memory_space<vmem>>
        %dma_start3A_184 = tpu.memref_squeeze %dma_start3A_183 : memref<1x128xi32, #tpu.memory_space<vmem>> -> memref<128xi32, #tpu.memory_space<vmem>>
        %dma_start3A_185 = arith.constant 0 : i32
        %dma_start3A_186 = arith.constant 0 : i32
        %dma_start3A_187 = tpu.memref_slice %arg2[%dma_start3A_185, %dma_start3A_186] : memref<20000x64xf32, #tpu.memory_space<hbm>> -> memref<20000x64xf32, #tpu.memory_space<hbm>>
        tpu.enqueue_indirect_dma source(%dma_start3A_187 : memref<20000x64xf32, #tpu.memory_space<hbm>>) target(%arg12 : memref<128x64xf32, #tpu.memory_space<vmem>>) offsets(%dma_start3A_184 : memref<128xi32, #tpu.memory_space<vmem>>) semaphore(%arg20 : memref<!tpu.dma_semaphore, #tpu.memory_space<semaphore_mem>>)
      } else {
      }
      %mul3A_80 = arith.constant 5 : i32
      %mul3A_81 = arith.muli %scan3A_61, %mul3A_80 : i32
      %add3A_82 = arith.constant 1 : i32
      %add3A_83 = arith.addi %mul3A_81, %add3A_82 : i32
      %dma_wait3A_84 = arith.constant 0 : i32
      %dma_wait3A_85 = tpu.memref_slice %arg10[%add3A_83, %dma_wait3A_84] : memref<160x128xi32, #tpu.memory_space<vmem>> -> memref<1x128xi32, #tpu.memory_space<vmem>>
      %dma_wait3A_86 = tpu.memref_squeeze %dma_wait3A_85 : memref<1x128xi32, #tpu.memory_space<vmem>> -> memref<128xi32, #tpu.memory_space<vmem>>
      %dma_wait3A_87 = arith.constant 0 : i32
      %dma_wait3A_88 = arith.constant 0 : i32
      %dma_wait3A_89 = tpu.memref_slice %arg2[%dma_wait3A_87, %dma_wait3A_88] : memref<20000x64xf32, #tpu.memory_space<hbm>> -> memref<20000x64xf32, #tpu.memory_space<hbm>>
      tpu.wait_indirect_dma semaphore(%arg21 : memref<!tpu.dma_semaphore, #tpu.memory_space<semaphore_mem>>) src(%dma_wait3A_89 : memref<20000x64xf32, #tpu.memory_space<hbm>>) dst(%arg13 : memref<128x64xf32, #tpu.memory_space<vmem>>)
      "tpu.region"() ({
        %run_scoped3A = tpu.sem_alloc : memref<!tpu.dma_semaphore, #tpu.memory_space<semaphore_mem>>
        %dma_start3A_180 = arith.constant 0 : i32
        %dma_start3A_181 = tpu.memref_slice %arg11[%add3A_83, %dma_start3A_180] : memref<160x128xi32, #tpu.memory_space<vmem>> -> memref<1x128xi32, #tpu.memory_space<vmem>>
        %dma_start3A_182 = tpu.memref_squeeze %dma_start3A_181 : memref<1x128xi32, #tpu.memory_space<vmem>> -> memref<128xi32, #tpu.memory_space<vmem>>
        %dma_start3A_183 = arith.constant 0 : i32
        %dma_start3A_184 = arith.constant 0 : i32
        %dma_start3A_185 = tpu.memref_slice %arg18[%dma_start3A_183, %dma_start3A_184] : memref<10112x64xf32, #tpu.memory_space<vmem_shared>> -> memref<10112x64xf32, #tpu.memory_space<vmem_shared>>
        tpu.enqueue_indirect_dma source(%arg13 : memref<128x64xf32, #tpu.memory_space<vmem>>) target(%dma_start3A_185 : memref<10112x64xf32, #tpu.memory_space<vmem_shared>>) offsets(%dma_start3A_182 : memref<128xi32, #tpu.memory_space<vmem>>) semaphore(%run_scoped3A : memref<!tpu.dma_semaphore, #tpu.memory_space<semaphore_mem>>) {add = true}
        %dma_wait3A_186 = arith.constant 0 : i32
        %dma_wait3A_187 = tpu.memref_slice %arg11[%add3A_83, %dma_wait3A_186] : memref<160x128xi32, #tpu.memory_space<vmem>> -> memref<1x128xi32, #tpu.memory_space<vmem>>
        %dma_wait3A_188 = tpu.memref_squeeze %dma_wait3A_187 : memref<1x128xi32, #tpu.memory_space<vmem>> -> memref<128xi32, #tpu.memory_space<vmem>>
        %dma_wait3A_189 = arith.constant 0 : i32
        %dma_wait3A_190 = arith.constant 0 : i32
        %dma_wait3A_191 = tpu.memref_slice %arg18[%dma_wait3A_189, %dma_wait3A_190] : memref<10112x64xf32, #tpu.memory_space<vmem_shared>> -> memref<10112x64xf32, #tpu.memory_space<vmem_shared>>
        tpu.wait_indirect_dma semaphore(%run_scoped3A : memref<!tpu.dma_semaphore, #tpu.memory_space<semaphore_mem>>) src(%arg13 : memref<128x64xf32, #tpu.memory_space<vmem>>) dst(%dma_wait3A_191 : memref<10112x64xf32, #tpu.memory_space<vmem_shared>>)
        tpu.yield
      }) : () -> ()
      %ge3A_90 = arith.cmpi sge, %add3A_83, %mul3A_12 : i32
      %add3A_91 = arith.constant 80 : i32
      %add3A_92 = arith.addi %mul3A_12, %add3A_91 : i32
      %lt3A_93 = arith.cmpi slt, %add3A_83, %add3A_92 : i32
      %and3A_94 = arith.andi %ge3A_90, %lt3A_93 : i1
      %convert_element_type3A_95 = arith.extui %and3A_94 : i1 to i32
      %cond3A_96 = arith.constant 0 : i32
      %cond3A_97 = arith.cmpi ne, %convert_element_type3A_95, %cond3A_96 : i32
      scf.if %cond3A_97 {
        "tpu.region"() ({
          %run_scoped3A = tpu.sem_alloc : memref<!tpu.dma_semaphore, #tpu.memory_space<semaphore_mem>>
          %dma_start3A_180 = arith.constant 0 : i32
          %dma_start3A_181 = tpu.memref_slice %arg11[%add3A_83, %dma_start3A_180] : memref<160x128xi32, #tpu.memory_space<vmem>> -> memref<1x128xi32, #tpu.memory_space<vmem>>
          %dma_start3A_182 = tpu.memref_squeeze %dma_start3A_181 : memref<1x128xi32, #tpu.memory_space<vmem>> -> memref<128xi32, #tpu.memory_space<vmem>>
          %dma_start3A_183 = arith.constant 0 : i32
          %dma_start3A_184 = arith.constant 0 : i32
          %dma_start3A_185 = tpu.memref_slice %arg19[%dma_start3A_183, %dma_start3A_184] : memref<10112x8xf32, #tpu.memory_space<vmem_shared>> -> memref<10112x8xf32, #tpu.memory_space<vmem_shared>>
          tpu.enqueue_indirect_dma source(%arg17 : memref<128x8xf32, #tpu.memory_space<vmem>>) target(%dma_start3A_185 : memref<10112x8xf32, #tpu.memory_space<vmem_shared>>) offsets(%dma_start3A_182 : memref<128xi32, #tpu.memory_space<vmem>>) semaphore(%run_scoped3A : memref<!tpu.dma_semaphore, #tpu.memory_space<semaphore_mem>>) {add = true}
          %dma_wait3A_186 = arith.constant 0 : i32
          %dma_wait3A_187 = tpu.memref_slice %arg11[%add3A_83, %dma_wait3A_186] : memref<160x128xi32, #tpu.memory_space<vmem>> -> memref<1x128xi32, #tpu.memory_space<vmem>>
          %dma_wait3A_188 = tpu.memref_squeeze %dma_wait3A_187 : memref<1x128xi32, #tpu.memory_space<vmem>> -> memref<128xi32, #tpu.memory_space<vmem>>
          %dma_wait3A_189 = arith.constant 0 : i32
          %dma_wait3A_190 = arith.constant 0 : i32
          %dma_wait3A_191 = tpu.memref_slice %arg19[%dma_wait3A_189, %dma_wait3A_190] : memref<10112x8xf32, #tpu.memory_space<vmem_shared>> -> memref<10112x8xf32, #tpu.memory_space<vmem_shared>>
          tpu.wait_indirect_dma semaphore(%run_scoped3A : memref<!tpu.dma_semaphore, #tpu.memory_space<semaphore_mem>>) src(%arg17 : memref<128x8xf32, #tpu.memory_space<vmem>>) dst(%dma_wait3A_191 : memref<10112x8xf32, #tpu.memory_space<vmem_shared>>)
          tpu.yield
        }) : () -> ()
      } else {
      }
      %add3A_98 = arith.constant 5 : i32
      %add3A_99 = arith.addi %add3A_83, %add3A_98 : i32
      %lt3A_100 = arith.constant 160 : i32
      %lt3A_101 = arith.cmpi slt, %add3A_99, %lt3A_100 : i32
      %convert_element_type3A_102 = arith.extui %lt3A_101 : i1 to i32
      %cond3A_103 = arith.constant 0 : i32
      %cond3A_104 = arith.cmpi ne, %convert_element_type3A_102, %cond3A_103 : i32
      scf.if %cond3A_104 {
        %add3A_180 = arith.constant 5 : i32
        %add3A_181 = arith.addi %add3A_83, %add3A_180 : i32
        %dma_start3A_182 = arith.constant 0 : i32
        %dma_start3A_183 = tpu.memref_slice %arg10[%add3A_181, %dma_start3A_182] : memref<160x128xi32, #tpu.memory_space<vmem>> -> memref<1x128xi32, #tpu.memory_space<vmem>>
        %dma_start3A_184 = tpu.memref_squeeze %dma_start3A_183 : memref<1x128xi32, #tpu.memory_space<vmem>> -> memref<128xi32, #tpu.memory_space<vmem>>
        %dma_start3A_185 = arith.constant 0 : i32
        %dma_start3A_186 = arith.constant 0 : i32
        %dma_start3A_187 = tpu.memref_slice %arg2[%dma_start3A_185, %dma_start3A_186] : memref<20000x64xf32, #tpu.memory_space<hbm>> -> memref<20000x64xf32, #tpu.memory_space<hbm>>
        tpu.enqueue_indirect_dma source(%dma_start3A_187 : memref<20000x64xf32, #tpu.memory_space<hbm>>) target(%arg13 : memref<128x64xf32, #tpu.memory_space<vmem>>) offsets(%dma_start3A_184 : memref<128xi32, #tpu.memory_space<vmem>>) semaphore(%arg21 : memref<!tpu.dma_semaphore, #tpu.memory_space<semaphore_mem>>)
      } else {
      }
      %mul3A_105 = arith.constant 5 : i32
      %mul3A_106 = arith.muli %scan3A_61, %mul3A_105 : i32
      %add3A_107 = arith.constant 2 : i32
      %add3A_108 = arith.addi %mul3A_106, %add3A_107 : i32
      %dma_wait3A_109 = arith.constant 0 : i32
      %dma_wait3A_110 = tpu.memref_slice %arg10[%add3A_108, %dma_wait3A_109] : memref<160x128xi32, #tpu.memory_space<vmem>> -> memref<1x128xi32, #tpu.memory_space<vmem>>
      %dma_wait3A_111 = tpu.memref_squeeze %dma_wait3A_110 : memref<1x128xi32, #tpu.memory_space<vmem>> -> memref<128xi32, #tpu.memory_space<vmem>>
      %dma_wait3A_112 = arith.constant 0 : i32
      %dma_wait3A_113 = arith.constant 0 : i32
      %dma_wait3A_114 = tpu.memref_slice %arg2[%dma_wait3A_112, %dma_wait3A_113] : memref<20000x64xf32, #tpu.memory_space<hbm>> -> memref<20000x64xf32, #tpu.memory_space<hbm>>
      tpu.wait_indirect_dma semaphore(%arg22 : memref<!tpu.dma_semaphore, #tpu.memory_space<semaphore_mem>>) src(%dma_wait3A_114 : memref<20000x64xf32, #tpu.memory_space<hbm>>) dst(%arg14 : memref<128x64xf32, #tpu.memory_space<vmem>>)
      "tpu.region"() ({
        %run_scoped3A = tpu.sem_alloc : memref<!tpu.dma_semaphore, #tpu.memory_space<semaphore_mem>>
        %dma_start3A_180 = arith.constant 0 : i32
        %dma_start3A_181 = tpu.memref_slice %arg11[%add3A_108, %dma_start3A_180] : memref<160x128xi32, #tpu.memory_space<vmem>> -> memref<1x128xi32, #tpu.memory_space<vmem>>
        %dma_start3A_182 = tpu.memref_squeeze %dma_start3A_181 : memref<1x128xi32, #tpu.memory_space<vmem>> -> memref<128xi32, #tpu.memory_space<vmem>>
        %dma_start3A_183 = arith.constant 0 : i32
        %dma_start3A_184 = arith.constant 0 : i32
        %dma_start3A_185 = tpu.memref_slice %arg18[%dma_start3A_183, %dma_start3A_184] : memref<10112x64xf32, #tpu.memory_space<vmem_shared>> -> memref<10112x64xf32, #tpu.memory_space<vmem_shared>>
        tpu.enqueue_indirect_dma source(%arg14 : memref<128x64xf32, #tpu.memory_space<vmem>>) target(%dma_start3A_185 : memref<10112x64xf32, #tpu.memory_space<vmem_shared>>) offsets(%dma_start3A_182 : memref<128xi32, #tpu.memory_space<vmem>>) semaphore(%run_scoped3A : memref<!tpu.dma_semaphore, #tpu.memory_space<semaphore_mem>>) {add = true}
        %dma_wait3A_186 = arith.constant 0 : i32
        %dma_wait3A_187 = tpu.memref_slice %arg11[%add3A_108, %dma_wait3A_186] : memref<160x128xi32, #tpu.memory_space<vmem>> -> memref<1x128xi32, #tpu.memory_space<vmem>>
        %dma_wait3A_188 = tpu.memref_squeeze %dma_wait3A_187 : memref<1x128xi32, #tpu.memory_space<vmem>> -> memref<128xi32, #tpu.memory_space<vmem>>
        %dma_wait3A_189 = arith.constant 0 : i32
        %dma_wait3A_190 = arith.constant 0 : i32
        %dma_wait3A_191 = tpu.memref_slice %arg18[%dma_wait3A_189, %dma_wait3A_190] : memref<10112x64xf32, #tpu.memory_space<vmem_shared>> -> memref<10112x64xf32, #tpu.memory_space<vmem_shared>>
        tpu.wait_indirect_dma semaphore(%run_scoped3A : memref<!tpu.dma_semaphore, #tpu.memory_space<semaphore_mem>>) src(%arg14 : memref<128x64xf32, #tpu.memory_space<vmem>>) dst(%dma_wait3A_191 : memref<10112x64xf32, #tpu.memory_space<vmem_shared>>)
        tpu.yield
      }) : () -> ()
      %ge3A_115 = arith.cmpi sge, %add3A_108, %mul3A_12 : i32
      %add3A_116 = arith.constant 80 : i32
      %add3A_117 = arith.addi %mul3A_12, %add3A_116 : i32
      %lt3A_118 = arith.cmpi slt, %add3A_108, %add3A_117 : i32
      %and3A_119 = arith.andi %ge3A_115, %lt3A_118 : i1
      %convert_element_type3A_120 = arith.extui %and3A_119 : i1 to i32
      %cond3A_121 = arith.constant 0 : i32
      %cond3A_122 = arith.cmpi ne, %convert_element_type3A_120, %cond3A_121 : i32
      scf.if %cond3A_122 {
        "tpu.region"() ({
          %run_scoped3A = tpu.sem_alloc : memref<!tpu.dma_semaphore, #tpu.memory_space<semaphore_mem>>
          %dma_start3A_180 = arith.constant 0 : i32
          %dma_start3A_181 = tpu.memref_slice %arg11[%add3A_108, %dma_start3A_180] : memref<160x128xi32, #tpu.memory_space<vmem>> -> memref<1x128xi32, #tpu.memory_space<vmem>>
          %dma_start3A_182 = tpu.memref_squeeze %dma_start3A_181 : memref<1x128xi32, #tpu.memory_space<vmem>> -> memref<128xi32, #tpu.memory_space<vmem>>
          %dma_start3A_183 = arith.constant 0 : i32
          %dma_start3A_184 = arith.constant 0 : i32
          %dma_start3A_185 = tpu.memref_slice %arg19[%dma_start3A_183, %dma_start3A_184] : memref<10112x8xf32, #tpu.memory_space<vmem_shared>> -> memref<10112x8xf32, #tpu.memory_space<vmem_shared>>
          tpu.enqueue_indirect_dma source(%arg17 : memref<128x8xf32, #tpu.memory_space<vmem>>) target(%dma_start3A_185 : memref<10112x8xf32, #tpu.memory_space<vmem_shared>>) offsets(%dma_start3A_182 : memref<128xi32, #tpu.memory_space<vmem>>) semaphore(%run_scoped3A : memref<!tpu.dma_semaphore, #tpu.memory_space<semaphore_mem>>) {add = true}
          %dma_wait3A_186 = arith.constant 0 : i32
          %dma_wait3A_187 = tpu.memref_slice %arg11[%add3A_108, %dma_wait3A_186] : memref<160x128xi32, #tpu.memory_space<vmem>> -> memref<1x128xi32, #tpu.memory_space<vmem>>
          %dma_wait3A_188 = tpu.memref_squeeze %dma_wait3A_187 : memref<1x128xi32, #tpu.memory_space<vmem>> -> memref<128xi32, #tpu.memory_space<vmem>>
          %dma_wait3A_189 = arith.constant 0 : i32
          %dma_wait3A_190 = arith.constant 0 : i32
          %dma_wait3A_191 = tpu.memref_slice %arg19[%dma_wait3A_189, %dma_wait3A_190] : memref<10112x8xf32, #tpu.memory_space<vmem_shared>> -> memref<10112x8xf32, #tpu.memory_space<vmem_shared>>
          tpu.wait_indirect_dma semaphore(%run_scoped3A : memref<!tpu.dma_semaphore, #tpu.memory_space<semaphore_mem>>) src(%arg17 : memref<128x8xf32, #tpu.memory_space<vmem>>) dst(%dma_wait3A_191 : memref<10112x8xf32, #tpu.memory_space<vmem_shared>>)
          tpu.yield
        }) : () -> ()
      } else {
      }
      %add3A_123 = arith.constant 5 : i32
      %add3A_124 = arith.addi %add3A_108, %add3A_123 : i32
      %lt3A_125 = arith.constant 160 : i32
      %lt3A_126 = arith.cmpi slt, %add3A_124, %lt3A_125 : i32
      %convert_element_type3A_127 = arith.extui %lt3A_126 : i1 to i32
      %cond3A_128 = arith.constant 0 : i32
      %cond3A_129 = arith.cmpi ne, %convert_element_type3A_127, %cond3A_128 : i32
      scf.if %cond3A_129 {
        %add3A_180 = arith.constant 5 : i32
        %add3A_181 = arith.addi %add3A_108, %add3A_180 : i32
        %dma_start3A_182 = arith.constant 0 : i32
        %dma_start3A_183 = tpu.memref_slice %arg10[%add3A_181, %dma_start3A_182] : memref<160x128xi32, #tpu.memory_space<vmem>> -> memref<1x128xi32, #tpu.memory_space<vmem>>
        %dma_start3A_184 = tpu.memref_squeeze %dma_start3A_183 : memref<1x128xi32, #tpu.memory_space<vmem>> -> memref<128xi32, #tpu.memory_space<vmem>>
        %dma_start3A_185 = arith.constant 0 : i32
        %dma_start3A_186 = arith.constant 0 : i32
        %dma_start3A_187 = tpu.memref_slice %arg2[%dma_start3A_185, %dma_start3A_186] : memref<20000x64xf32, #tpu.memory_space<hbm>> -> memref<20000x64xf32, #tpu.memory_space<hbm>>
        tpu.enqueue_indirect_dma source(%dma_start3A_187 : memref<20000x64xf32, #tpu.memory_space<hbm>>) target(%arg14 : memref<128x64xf32, #tpu.memory_space<vmem>>) offsets(%dma_start3A_184 : memref<128xi32, #tpu.memory_space<vmem>>) semaphore(%arg22 : memref<!tpu.dma_semaphore, #tpu.memory_space<semaphore_mem>>)
      } else {
      }
      %mul3A_130 = arith.constant 5 : i32
      %mul3A_131 = arith.muli %scan3A_61, %mul3A_130 : i32
      %add3A_132 = arith.constant 3 : i32
      %add3A_133 = arith.addi %mul3A_131, %add3A_132 : i32
      %dma_wait3A_134 = arith.constant 0 : i32
      %dma_wait3A_135 = tpu.memref_slice %arg10[%add3A_133, %dma_wait3A_134] : memref<160x128xi32, #tpu.memory_space<vmem>> -> memref<1x128xi32, #tpu.memory_space<vmem>>
      %dma_wait3A_136 = tpu.memref_squeeze %dma_wait3A_135 : memref<1x128xi32, #tpu.memory_space<vmem>> -> memref<128xi32, #tpu.memory_space<vmem>>
      %dma_wait3A_137 = arith.constant 0 : i32
      %dma_wait3A_138 = arith.constant 0 : i32
      %dma_wait3A_139 = tpu.memref_slice %arg2[%dma_wait3A_137, %dma_wait3A_138] : memref<20000x64xf32, #tpu.memory_space<hbm>> -> memref<20000x64xf32, #tpu.memory_space<hbm>>
      tpu.wait_indirect_dma semaphore(%arg23 : memref<!tpu.dma_semaphore, #tpu.memory_space<semaphore_mem>>) src(%dma_wait3A_139 : memref<20000x64xf32, #tpu.memory_space<hbm>>) dst(%arg15 : memref<128x64xf32, #tpu.memory_space<vmem>>)
      "tpu.region"() ({
        %run_scoped3A = tpu.sem_alloc : memref<!tpu.dma_semaphore, #tpu.memory_space<semaphore_mem>>
        %dma_start3A_180 = arith.constant 0 : i32
        %dma_start3A_181 = tpu.memref_slice %arg11[%add3A_133, %dma_start3A_180] : memref<160x128xi32, #tpu.memory_space<vmem>> -> memref<1x128xi32, #tpu.memory_space<vmem>>
        %dma_start3A_182 = tpu.memref_squeeze %dma_start3A_181 : memref<1x128xi32, #tpu.memory_space<vmem>> -> memref<128xi32, #tpu.memory_space<vmem>>
        %dma_start3A_183 = arith.constant 0 : i32
        %dma_start3A_184 = arith.constant 0 : i32
        %dma_start3A_185 = tpu.memref_slice %arg18[%dma_start3A_183, %dma_start3A_184] : memref<10112x64xf32, #tpu.memory_space<vmem_shared>> -> memref<10112x64xf32, #tpu.memory_space<vmem_shared>>
        tpu.enqueue_indirect_dma source(%arg15 : memref<128x64xf32, #tpu.memory_space<vmem>>) target(%dma_start3A_185 : memref<10112x64xf32, #tpu.memory_space<vmem_shared>>) offsets(%dma_start3A_182 : memref<128xi32, #tpu.memory_space<vmem>>) semaphore(%run_scoped3A : memref<!tpu.dma_semaphore, #tpu.memory_space<semaphore_mem>>) {add = true}
        %dma_wait3A_186 = arith.constant 0 : i32
        %dma_wait3A_187 = tpu.memref_slice %arg11[%add3A_133, %dma_wait3A_186] : memref<160x128xi32, #tpu.memory_space<vmem>> -> memref<1x128xi32, #tpu.memory_space<vmem>>
        %dma_wait3A_188 = tpu.memref_squeeze %dma_wait3A_187 : memref<1x128xi32, #tpu.memory_space<vmem>> -> memref<128xi32, #tpu.memory_space<vmem>>
        %dma_wait3A_189 = arith.constant 0 : i32
        %dma_wait3A_190 = arith.constant 0 : i32
        %dma_wait3A_191 = tpu.memref_slice %arg18[%dma_wait3A_189, %dma_wait3A_190] : memref<10112x64xf32, #tpu.memory_space<vmem_shared>> -> memref<10112x64xf32, #tpu.memory_space<vmem_shared>>
        tpu.wait_indirect_dma semaphore(%run_scoped3A : memref<!tpu.dma_semaphore, #tpu.memory_space<semaphore_mem>>) src(%arg15 : memref<128x64xf32, #tpu.memory_space<vmem>>) dst(%dma_wait3A_191 : memref<10112x64xf32, #tpu.memory_space<vmem_shared>>)
        tpu.yield
      }) : () -> ()
      %ge3A_140 = arith.cmpi sge, %add3A_133, %mul3A_12 : i32
      %add3A_141 = arith.constant 80 : i32
      %add3A_142 = arith.addi %mul3A_12, %add3A_141 : i32
      %lt3A_143 = arith.cmpi slt, %add3A_133, %add3A_142 : i32
      %and3A_144 = arith.andi %ge3A_140, %lt3A_143 : i1
      %convert_element_type3A_145 = arith.extui %and3A_144 : i1 to i32
      %cond3A_146 = arith.constant 0 : i32
      %cond3A_147 = arith.cmpi ne, %convert_element_type3A_145, %cond3A_146 : i32
      scf.if %cond3A_147 {
        "tpu.region"() ({
          %run_scoped3A = tpu.sem_alloc : memref<!tpu.dma_semaphore, #tpu.memory_space<semaphore_mem>>
          %dma_start3A_180 = arith.constant 0 : i32
          %dma_start3A_181 = tpu.memref_slice %arg11[%add3A_133, %dma_start3A_180] : memref<160x128xi32, #tpu.memory_space<vmem>> -> memref<1x128xi32, #tpu.memory_space<vmem>>
          %dma_start3A_182 = tpu.memref_squeeze %dma_start3A_181 : memref<1x128xi32, #tpu.memory_space<vmem>> -> memref<128xi32, #tpu.memory_space<vmem>>
          %dma_start3A_183 = arith.constant 0 : i32
          %dma_start3A_184 = arith.constant 0 : i32
          %dma_start3A_185 = tpu.memref_slice %arg19[%dma_start3A_183, %dma_start3A_184] : memref<10112x8xf32, #tpu.memory_space<vmem_shared>> -> memref<10112x8xf32, #tpu.memory_space<vmem_shared>>
          tpu.enqueue_indirect_dma source(%arg17 : memref<128x8xf32, #tpu.memory_space<vmem>>) target(%dma_start3A_185 : memref<10112x8xf32, #tpu.memory_space<vmem_shared>>) offsets(%dma_start3A_182 : memref<128xi32, #tpu.memory_space<vmem>>) semaphore(%run_scoped3A : memref<!tpu.dma_semaphore, #tpu.memory_space<semaphore_mem>>) {add = true}
          %dma_wait3A_186 = arith.constant 0 : i32
          %dma_wait3A_187 = tpu.memref_slice %arg11[%add3A_133, %dma_wait3A_186] : memref<160x128xi32, #tpu.memory_space<vmem>> -> memref<1x128xi32, #tpu.memory_space<vmem>>
          %dma_wait3A_188 = tpu.memref_squeeze %dma_wait3A_187 : memref<1x128xi32, #tpu.memory_space<vmem>> -> memref<128xi32, #tpu.memory_space<vmem>>
          %dma_wait3A_189 = arith.constant 0 : i32
          %dma_wait3A_190 = arith.constant 0 : i32
          %dma_wait3A_191 = tpu.memref_slice %arg19[%dma_wait3A_189, %dma_wait3A_190] : memref<10112x8xf32, #tpu.memory_space<vmem_shared>> -> memref<10112x8xf32, #tpu.memory_space<vmem_shared>>
          tpu.wait_indirect_dma semaphore(%run_scoped3A : memref<!tpu.dma_semaphore, #tpu.memory_space<semaphore_mem>>) src(%arg17 : memref<128x8xf32, #tpu.memory_space<vmem>>) dst(%dma_wait3A_191 : memref<10112x8xf32, #tpu.memory_space<vmem_shared>>)
          tpu.yield
        }) : () -> ()
      } else {
      }
      %add3A_148 = arith.constant 5 : i32
      %add3A_149 = arith.addi %add3A_133, %add3A_148 : i32
      %lt3A_150 = arith.constant 160 : i32
      %lt3A_151 = arith.cmpi slt, %add3A_149, %lt3A_150 : i32
      %convert_element_type3A_152 = arith.extui %lt3A_151 : i1 to i32
      %cond3A_153 = arith.constant 0 : i32
      %cond3A_154 = arith.cmpi ne, %convert_element_type3A_152, %cond3A_153 : i32
      scf.if %cond3A_154 {
        %add3A_180 = arith.constant 5 : i32
        %add3A_181 = arith.addi %add3A_133, %add3A_180 : i32
        %dma_start3A_182 = arith.constant 0 : i32
        %dma_start3A_183 = tpu.memref_slice %arg10[%add3A_181, %dma_start3A_182] : memref<160x128xi32, #tpu.memory_space<vmem>> -> memref<1x128xi32, #tpu.memory_space<vmem>>
        %dma_start3A_184 = tpu.memref_squeeze %dma_start3A_183 : memref<1x128xi32, #tpu.memory_space<vmem>> -> memref<128xi32, #tpu.memory_space<vmem>>
        %dma_start3A_185 = arith.constant 0 : i32
        %dma_start3A_186 = arith.constant 0 : i32
        %dma_start3A_187 = tpu.memref_slice %arg2[%dma_start3A_185, %dma_start3A_186] : memref<20000x64xf32, #tpu.memory_space<hbm>> -> memref<20000x64xf32, #tpu.memory_space<hbm>>
        tpu.enqueue_indirect_dma source(%dma_start3A_187 : memref<20000x64xf32, #tpu.memory_space<hbm>>) target(%arg15 : memref<128x64xf32, #tpu.memory_space<vmem>>) offsets(%dma_start3A_184 : memref<128xi32, #tpu.memory_space<vmem>>) semaphore(%arg23 : memref<!tpu.dma_semaphore, #tpu.memory_space<semaphore_mem>>)
      } else {
      }
      %mul3A_155 = arith.constant 5 : i32
      %mul3A_156 = arith.muli %scan3A_61, %mul3A_155 : i32
      %add3A_157 = arith.constant 4 : i32
      %add3A_158 = arith.addi %mul3A_156, %add3A_157 : i32
      %dma_wait3A_159 = arith.constant 0 : i32
      %dma_wait3A_160 = tpu.memref_slice %arg10[%add3A_158, %dma_wait3A_159] : memref<160x128xi32, #tpu.memory_space<vmem>> -> memref<1x128xi32, #tpu.memory_space<vmem>>
      %dma_wait3A_161 = tpu.memref_squeeze %dma_wait3A_160 : memref<1x128xi32, #tpu.memory_space<vmem>> -> memref<128xi32, #tpu.memory_space<vmem>>
      %dma_wait3A_162 = arith.constant 0 : i32
      %dma_wait3A_163 = arith.constant 0 : i32
      %dma_wait3A_164 = tpu.memref_slice %arg2[%dma_wait3A_162, %dma_wait3A_163] : memref<20000x64xf32, #tpu.memory_space<hbm>> -> memref<20000x64xf32, #tpu.memory_space<hbm>>
      tpu.wait_indirect_dma semaphore(%arg24 : memref<!tpu.dma_semaphore, #tpu.memory_space<semaphore_mem>>) src(%dma_wait3A_164 : memref<20000x64xf32, #tpu.memory_space<hbm>>) dst(%arg16 : memref<128x64xf32, #tpu.memory_space<vmem>>)
      "tpu.region"() ({
        %run_scoped3A = tpu.sem_alloc : memref<!tpu.dma_semaphore, #tpu.memory_space<semaphore_mem>>
        %dma_start3A_180 = arith.constant 0 : i32
        %dma_start3A_181 = tpu.memref_slice %arg11[%add3A_158, %dma_start3A_180] : memref<160x128xi32, #tpu.memory_space<vmem>> -> memref<1x128xi32, #tpu.memory_space<vmem>>
        %dma_start3A_182 = tpu.memref_squeeze %dma_start3A_181 : memref<1x128xi32, #tpu.memory_space<vmem>> -> memref<128xi32, #tpu.memory_space<vmem>>
        %dma_start3A_183 = arith.constant 0 : i32
        %dma_start3A_184 = arith.constant 0 : i32
        %dma_start3A_185 = tpu.memref_slice %arg18[%dma_start3A_183, %dma_start3A_184] : memref<10112x64xf32, #tpu.memory_space<vmem_shared>> -> memref<10112x64xf32, #tpu.memory_space<vmem_shared>>
        tpu.enqueue_indirect_dma source(%arg16 : memref<128x64xf32, #tpu.memory_space<vmem>>) target(%dma_start3A_185 : memref<10112x64xf32, #tpu.memory_space<vmem_shared>>) offsets(%dma_start3A_182 : memref<128xi32, #tpu.memory_space<vmem>>) semaphore(%run_scoped3A : memref<!tpu.dma_semaphore, #tpu.memory_space<semaphore_mem>>) {add = true}
        %dma_wait3A_186 = arith.constant 0 : i32
        %dma_wait3A_187 = tpu.memref_slice %arg11[%add3A_158, %dma_wait3A_186] : memref<160x128xi32, #tpu.memory_space<vmem>> -> memref<1x128xi32, #tpu.memory_space<vmem>>
        %dma_wait3A_188 = tpu.memref_squeeze %dma_wait3A_187 : memref<1x128xi32, #tpu.memory_space<vmem>> -> memref<128xi32, #tpu.memory_space<vmem>>
        %dma_wait3A_189 = arith.constant 0 : i32
        %dma_wait3A_190 = arith.constant 0 : i32
        %dma_wait3A_191 = tpu.memref_slice %arg18[%dma_wait3A_189, %dma_wait3A_190] : memref<10112x64xf32, #tpu.memory_space<vmem_shared>> -> memref<10112x64xf32, #tpu.memory_space<vmem_shared>>
        tpu.wait_indirect_dma semaphore(%run_scoped3A : memref<!tpu.dma_semaphore, #tpu.memory_space<semaphore_mem>>) src(%arg16 : memref<128x64xf32, #tpu.memory_space<vmem>>) dst(%dma_wait3A_191 : memref<10112x64xf32, #tpu.memory_space<vmem_shared>>)
        tpu.yield
      }) : () -> ()
      %ge3A_165 = arith.cmpi sge, %add3A_158, %mul3A_12 : i32
      %add3A_166 = arith.constant 80 : i32
      %add3A_167 = arith.addi %mul3A_12, %add3A_166 : i32
      %lt3A_168 = arith.cmpi slt, %add3A_158, %add3A_167 : i32
      %and3A_169 = arith.andi %ge3A_165, %lt3A_168 : i1
      %convert_element_type3A_170 = arith.extui %and3A_169 : i1 to i32
      %cond3A_171 = arith.constant 0 : i32
      %cond3A_172 = arith.cmpi ne, %convert_element_type3A_170, %cond3A_171 : i32
      scf.if %cond3A_172 {
        "tpu.region"() ({
          %run_scoped3A = tpu.sem_alloc : memref<!tpu.dma_semaphore, #tpu.memory_space<semaphore_mem>>
          %dma_start3A_180 = arith.constant 0 : i32
          %dma_start3A_181 = tpu.memref_slice %arg11[%add3A_158, %dma_start3A_180] : memref<160x128xi32, #tpu.memory_space<vmem>> -> memref<1x128xi32, #tpu.memory_space<vmem>>
          %dma_start3A_182 = tpu.memref_squeeze %dma_start3A_181 : memref<1x128xi32, #tpu.memory_space<vmem>> -> memref<128xi32, #tpu.memory_space<vmem>>
          %dma_start3A_183 = arith.constant 0 : i32
          %dma_start3A_184 = arith.constant 0 : i32
          %dma_start3A_185 = tpu.memref_slice %arg19[%dma_start3A_183, %dma_start3A_184] : memref<10112x8xf32, #tpu.memory_space<vmem_shared>> -> memref<10112x8xf32, #tpu.memory_space<vmem_shared>>
          tpu.enqueue_indirect_dma source(%arg17 : memref<128x8xf32, #tpu.memory_space<vmem>>) target(%dma_start3A_185 : memref<10112x8xf32, #tpu.memory_space<vmem_shared>>) offsets(%dma_start3A_182 : memref<128xi32, #tpu.memory_space<vmem>>) semaphore(%run_scoped3A : memref<!tpu.dma_semaphore, #tpu.memory_space<semaphore_mem>>) {add = true}
          %dma_wait3A_186 = arith.constant 0 : i32
          %dma_wait3A_187 = tpu.memref_slice %arg11[%add3A_158, %dma_wait3A_186] : memref<160x128xi32, #tpu.memory_space<vmem>> -> memref<1x128xi32, #tpu.memory_space<vmem>>
          %dma_wait3A_188 = tpu.memref_squeeze %dma_wait3A_187 : memref<1x128xi32, #tpu.memory_space<vmem>> -> memref<128xi32, #tpu.memory_space<vmem>>
          %dma_wait3A_189 = arith.constant 0 : i32
          %dma_wait3A_190 = arith.constant 0 : i32
          %dma_wait3A_191 = tpu.memref_slice %arg19[%dma_wait3A_189, %dma_wait3A_190] : memref<10112x8xf32, #tpu.memory_space<vmem_shared>> -> memref<10112x8xf32, #tpu.memory_space<vmem_shared>>
          tpu.wait_indirect_dma semaphore(%run_scoped3A : memref<!tpu.dma_semaphore, #tpu.memory_space<semaphore_mem>>) src(%arg17 : memref<128x8xf32, #tpu.memory_space<vmem>>) dst(%dma_wait3A_191 : memref<10112x8xf32, #tpu.memory_space<vmem_shared>>)
          tpu.yield
        }) : () -> ()
      } else {
      }
      %add3A_173 = arith.constant 5 : i32
      %add3A_174 = arith.addi %add3A_158, %add3A_173 : i32
      %lt3A_175 = arith.constant 160 : i32
      %lt3A_176 = arith.cmpi slt, %add3A_174, %lt3A_175 : i32
      %convert_element_type3A_177 = arith.extui %lt3A_176 : i1 to i32
      %cond3A_178 = arith.constant 0 : i32
      %cond3A_179 = arith.cmpi ne, %convert_element_type3A_177, %cond3A_178 : i32
      scf.if %cond3A_179 {
        %add3A_180 = arith.constant 5 : i32
        %add3A_181 = arith.addi %add3A_158, %add3A_180 : i32
        %dma_start3A_182 = arith.constant 0 : i32
        %dma_start3A_183 = tpu.memref_slice %arg10[%add3A_181, %dma_start3A_182] : memref<160x128xi32, #tpu.memory_space<vmem>> -> memref<1x128xi32, #tpu.memory_space<vmem>>
        %dma_start3A_184 = tpu.memref_squeeze %dma_start3A_183 : memref<1x128xi32, #tpu.memory_space<vmem>> -> memref<128xi32, #tpu.memory_space<vmem>>
        %dma_start3A_185 = arith.constant 0 : i32
        %dma_start3A_186 = arith.constant 0 : i32
        %dma_start3A_187 = tpu.memref_slice %arg2[%dma_start3A_185, %dma_start3A_186] : memref<20000x64xf32, #tpu.memory_space<hbm>> -> memref<20000x64xf32, #tpu.memory_space<hbm>>
        tpu.enqueue_indirect_dma source(%dma_start3A_187 : memref<20000x64xf32, #tpu.memory_space<hbm>>) target(%arg16 : memref<128x64xf32, #tpu.memory_space<vmem>>) offsets(%dma_start3A_184 : memref<128xi32, #tpu.memory_space<vmem>>) semaphore(%arg24 : memref<!tpu.dma_semaphore, #tpu.memory_space<semaphore_mem>>)
      } else {
      }
    }
    %scan3A_51 = arith.constant 32 : i32
    %barrier3A_52 = arith.constant 0 : index
    tpu.barrier barrier_id(%barrier3A_52)
    %mul3A_53 = arith.constant 632 : i32
    %mul3A_54 = arith.muli %arg1, %mul3A_53 : i32
    %mul3A_55 = arith.constant 632 : i32
    %mul3A_56 = arith.muli %arg1, %mul3A_55 : i32
    "tpu.region"() ({
      %run_scoped3A = tpu.sem_alloc : memref<!tpu.dma_semaphore, #tpu.memory_space<semaphore_mem>>
      %dma_start3A_61 = arith.constant 0 : i32
      %dma_start3A_62 = tpu.memref_slice %arg8[%arg0, %mul3A_56, %dma_start3A_61] : memref<2x10112x64xf32, #tpu.memory_space<hbm>> -> memref<1x632x64xf32, #tpu.memory_space<hbm>>
      %dma_start3A_63 = tpu.memref_squeeze %dma_start3A_62 : memref<1x632x64xf32, #tpu.memory_space<hbm>> -> memref<632x64xf32, #tpu.memory_space<hbm>>
      %dma_start3A_64 = arith.constant 0 : i32
      %dma_start3A_65 = tpu.memref_slice %arg18[%mul3A_54, %dma_start3A_64] : memref<10112x64xf32, #tpu.memory_space<vmem_shared>> -> memref<632x64xf32, #tpu.memory_space<vmem_shared>>
      tpu.enqueue_dma source(%dma_start3A_65 : memref<632x64xf32, #tpu.memory_space<vmem_shared>>) target(%dma_start3A_63 : memref<632x64xf32, #tpu.memory_space<hbm>>) target_semaphore(%run_scoped3A : memref<!tpu.dma_semaphore, #tpu.memory_space<semaphore_mem>>)
      %dma_wait3A = arith.constant 0 : i32
      %dma_wait3A_66 = tpu.memref_slice %arg8[%arg0, %mul3A_56, %dma_wait3A] : memref<2x10112x64xf32, #tpu.memory_space<hbm>> -> memref<1x632x64xf32, #tpu.memory_space<hbm>>
      %dma_wait3A_67 = tpu.memref_squeeze %dma_wait3A_66 : memref<1x632x64xf32, #tpu.memory_space<hbm>> -> memref<632x64xf32, #tpu.memory_space<hbm>>
      %dma_wait3A_68 = arith.constant 0 : i32
      %dma_wait3A_69 = tpu.memref_slice %arg18[%mul3A_54, %dma_wait3A_68] : memref<10112x64xf32, #tpu.memory_space<vmem_shared>> -> memref<632x64xf32, #tpu.memory_space<vmem_shared>>
      tpu.wait_dma2 semaphore(%run_scoped3A : memref<!tpu.dma_semaphore, #tpu.memory_space<semaphore_mem>>) src(%dma_wait3A_69 : memref<632x64xf32, #tpu.memory_space<vmem_shared>>) dst(%dma_wait3A_67 : memref<632x64xf32, #tpu.memory_space<hbm>>)
      tpu.yield
    }) : () -> ()
    %mul3A_57 = arith.constant 632 : i32
    %mul3A_58 = arith.muli %arg1, %mul3A_57 : i32
    %mul3A_59 = arith.constant 632 : i32
    %mul3A_60 = arith.muli %arg1, %mul3A_59 : i32
    "tpu.region"() ({
      %run_scoped3A = tpu.sem_alloc : memref<!tpu.dma_semaphore, #tpu.memory_space<semaphore_mem>>
      %dma_start3A_61 = arith.constant 0 : i32
      %dma_start3A_62 = tpu.memref_slice %arg9[%arg0, %mul3A_60, %dma_start3A_61] : memref<2x10112x8xf32, #tpu.memory_space<hbm>> -> memref<1x632x8xf32, #tpu.memory_space<hbm>>
      %dma_start3A_63 = tpu.memref_squeeze %dma_start3A_62 : memref<1x632x8xf32, #tpu.memory_space<hbm>> -> memref<632x8xf32, #tpu.memory_space<hbm>>
      %dma_start3A_64 = arith.constant 0 : i32
      %dma_start3A_65 = tpu.memref_slice %arg19[%mul3A_58, %dma_start3A_64] : memref<10112x8xf32, #tpu.memory_space<vmem_shared>> -> memref<632x8xf32, #tpu.memory_space<vmem_shared>>
      tpu.enqueue_dma source(%dma_start3A_65 : memref<632x8xf32, #tpu.memory_space<vmem_shared>>) target(%dma_start3A_63 : memref<632x8xf32, #tpu.memory_space<hbm>>) target_semaphore(%run_scoped3A : memref<!tpu.dma_semaphore, #tpu.memory_space<semaphore_mem>>)
      %dma_wait3A = arith.constant 0 : i32
      %dma_wait3A_66 = tpu.memref_slice %arg9[%arg0, %mul3A_60, %dma_wait3A] : memref<2x10112x8xf32, #tpu.memory_space<hbm>> -> memref<1x632x8xf32, #tpu.memory_space<hbm>>
      %dma_wait3A_67 = tpu.memref_squeeze %dma_wait3A_66 : memref<1x632x8xf32, #tpu.memory_space<hbm>> -> memref<632x8xf32, #tpu.memory_space<hbm>>
      %dma_wait3A_68 = arith.constant 0 : i32
      %dma_wait3A_69 = tpu.memref_slice %arg19[%mul3A_58, %dma_wait3A_68] : memref<10112x8xf32, #tpu.memory_space<vmem_shared>> -> memref<632x8xf32, #tpu.memory_space<vmem_shared>>
      tpu.wait_dma2 semaphore(%run_scoped3A : memref<!tpu.dma_semaphore, #tpu.memory_space<semaphore_mem>>) src(%dma_wait3A_69 : memref<632x8xf32, #tpu.memory_space<vmem_shared>>) dst(%dma_wait3A_67 : memref<632x8xf32, #tpu.memory_space<hbm>>)
      tpu.yield
    }) : () -> ()
    return
  }
}

#map = affine_map<(d0, d1) -> (0, 0)>
#map1 = affine_map<(d0, d1) -> (0, 0, 0)>
module attributes {stable_mosaic.version = 14 : i64} {
  func.func @_sc2_body(%arg0: i32, %arg1: i32, %arg2: memref<20000x64xf32, #tpu.memory_space<hbm>>, %arg3: memref<2x2560x128xi32, #tpu.memory_space<hbm>>, %arg4: memref<2560x128xi32, #tpu.memory_space<hbm>>, %arg5: memref<10112x64xf32, #tpu.memory_space<hbm>>, %arg6: memref<2x10112x64xf32, #tpu.memory_space<hbm>>, %arg7: memref<160x128xi32, #tpu.memory_space<vmem>>, %arg8: memref<160x128xi32, #tpu.memory_space<vmem>>, %arg9: memref<128x64xf32, #tpu.memory_space<vmem>>, %arg10: memref<128x64xf32, #tpu.memory_space<vmem>>, %arg11: memref<128x64xf32, #tpu.memory_space<vmem>>, %arg12: memref<128x64xf32, #tpu.memory_space<vmem>>, %arg13: memref<128x64xf32, #tpu.memory_space<vmem>>, %arg14: memref<10112x64xf32, #tpu.memory_space<vmem_shared>>, %arg15: memref<!tpu.dma_semaphore, #tpu.memory_space<semaphore_mem>>, %arg16: memref<!tpu.dma_semaphore, #tpu.memory_space<semaphore_mem>>, %arg17: memref<!tpu.dma_semaphore, #tpu.memory_space<semaphore_mem>>, %arg18: memref<!tpu.dma_semaphore, #tpu.memory_space<semaphore_mem>>, %arg19: memref<!tpu.dma_semaphore, #tpu.memory_space<semaphore_mem>>) attributes {dimension_semantics = [#tpu.dimension_semantics<core_parallel>, #tpu.dimension_semantics<subcore_parallel>], iteration_bounds = array<i64: 2, 16>, scalar_prefetch = 0 : i64, scratch_operands = 13 : i64, tpu.core_type = #tpu.core_type<sc_vector_subcore>, window_params = [{transform_indices = #map}, {transform_indices = #map1}, {transform_indices = #map}, {transform_indices = #map}, {transform_indices = #map1}]} {
    %mul3A = arith.constant 632 : i32
    %mul3A_0 = arith.muli %arg1, %mul3A : i32
    %mul3A_1 = arith.constant 632 : i32
    %mul3A_2 = arith.muli %arg1, %mul3A_1 : i32
    "tpu.region"() ({
      %run_scoped3A = tpu.sem_alloc : memref<!tpu.dma_semaphore, #tpu.memory_space<semaphore_mem>>
      %dma_start3A_51 = arith.constant 0 : i32
      %dma_start3A_52 = tpu.memref_slice %arg14[%mul3A_2, %dma_start3A_51] : memref<10112x64xf32, #tpu.memory_space<vmem_shared>> -> memref<632x64xf32, #tpu.memory_space<vmem_shared>>
      %dma_start3A_53 = arith.constant 0 : i32
      %dma_start3A_54 = tpu.memref_slice %arg5[%mul3A_0, %dma_start3A_53] : memref<10112x64xf32, #tpu.memory_space<hbm>> -> memref<632x64xf32, #tpu.memory_space<hbm>>
      tpu.enqueue_dma source(%dma_start3A_54 : memref<632x64xf32, #tpu.memory_space<hbm>>) target(%dma_start3A_52 : memref<632x64xf32, #tpu.memory_space<vmem_shared>>) target_semaphore(%run_scoped3A : memref<!tpu.dma_semaphore, #tpu.memory_space<semaphore_mem>>)
      %dma_wait3A = arith.constant 0 : i32
      %dma_wait3A_55 = tpu.memref_slice %arg14[%mul3A_2, %dma_wait3A] : memref<10112x64xf32, #tpu.memory_space<vmem_shared>> -> memref<632x64xf32, #tpu.memory_space<vmem_shared>>
      %dma_wait3A_56 = arith.constant 0 : i32
      %dma_wait3A_57 = tpu.memref_slice %arg5[%mul3A_0, %dma_wait3A_56] : memref<10112x64xf32, #tpu.memory_space<hbm>> -> memref<632x64xf32, #tpu.memory_space<hbm>>
      tpu.wait_dma2 semaphore(%run_scoped3A : memref<!tpu.dma_semaphore, #tpu.memory_space<semaphore_mem>>) src(%dma_wait3A_57 : memref<632x64xf32, #tpu.memory_space<hbm>>) dst(%dma_wait3A_55 : memref<632x64xf32, #tpu.memory_space<vmem_shared>>)
      tpu.yield
    }) : () -> ()
    %mul3A_3 = arith.constant 160 : i32
    %mul3A_4 = arith.muli %arg1, %mul3A_3 : i32
    "tpu.region"() ({
      %run_scoped3A = tpu.sem_alloc : memref<!tpu.dma_semaphore, #tpu.memory_space<semaphore_mem>>
      %dma_start3A_51 = arith.constant 0 : i32
      %dma_start3A_52 = tpu.memref_slice %arg3[%arg0, %mul3A_4, %dma_start3A_51] : memref<2x2560x128xi32, #tpu.memory_space<hbm>> -> memref<1x160x128xi32, #tpu.memory_space<hbm>>
      %dma_start3A_53 = tpu.memref_squeeze %dma_start3A_52 : memref<1x160x128xi32, #tpu.memory_space<hbm>> -> memref<160x128xi32, #tpu.memory_space<hbm>>
      %dma_start3A_54 = arith.constant 0 : i32
      %dma_start3A_55 = tpu.memref_slice %arg3[%arg0, %mul3A_4, %dma_start3A_54] : memref<2x2560x128xi32, #tpu.memory_space<hbm>> -> memref<1x160x128xi32, #tpu.memory_space<hbm>>
      %dma_start3A_56 = tpu.memref_squeeze %dma_start3A_55 : memref<1x160x128xi32, #tpu.memory_space<hbm>> -> memref<160x128xi32, #tpu.memory_space<hbm>>
      tpu.enqueue_dma source(%dma_start3A_56 : memref<160x128xi32, #tpu.memory_space<hbm>>) target(%arg7 : memref<160x128xi32, #tpu.memory_space<vmem>>) target_semaphore(%run_scoped3A : memref<!tpu.dma_semaphore, #tpu.memory_space<semaphore_mem>>)
      %dma_wait3A = arith.constant 0 : i32
      %dma_wait3A_57 = tpu.memref_slice %arg3[%arg0, %mul3A_4, %dma_wait3A] : memref<2x2560x128xi32, #tpu.memory_space<hbm>> -> memref<1x160x128xi32, #tpu.memory_space<hbm>>
      %dma_wait3A_58 = tpu.memref_squeeze %dma_wait3A_57 : memref<1x160x128xi32, #tpu.memory_space<hbm>> -> memref<160x128xi32, #tpu.memory_space<hbm>>
      %dma_wait3A_59 = arith.constant 0 : i32
      %dma_wait3A_60 = tpu.memref_slice %arg3[%arg0, %mul3A_4, %dma_wait3A_59] : memref<2x2560x128xi32, #tpu.memory_space<hbm>> -> memref<1x160x128xi32, #tpu.memory_space<hbm>>
      %dma_wait3A_61 = tpu.memref_squeeze %dma_wait3A_60 : memref<1x160x128xi32, #tpu.memory_space<hbm>> -> memref<160x128xi32, #tpu.memory_space<hbm>>
      tpu.wait_dma2 semaphore(%run_scoped3A : memref<!tpu.dma_semaphore, #tpu.memory_space<semaphore_mem>>) src(%dma_wait3A_61 : memref<160x128xi32, #tpu.memory_space<hbm>>) dst(%arg7 : memref<160x128xi32, #tpu.memory_space<vmem>>)
      tpu.yield
    }) : () -> ()
    %mul3A_5 = arith.constant 160 : i32
    %mul3A_6 = arith.muli %arg1, %mul3A_5 : i32
    "tpu.region"() ({
      %run_scoped3A = tpu.sem_alloc : memref<!tpu.dma_semaphore, #tpu.memory_space<semaphore_mem>>
      %dma_start3A_51 = arith.constant 0 : i32
      %dma_start3A_52 = tpu.memref_slice %arg4[%mul3A_6, %dma_start3A_51] : memref<2560x128xi32, #tpu.memory_space<hbm>> -> memref<160x128xi32, #tpu.memory_space<hbm>>
      %dma_start3A_53 = arith.constant 0 : i32
      %dma_start3A_54 = tpu.memref_slice %arg4[%mul3A_6, %dma_start3A_53] : memref<2560x128xi32, #tpu.memory_space<hbm>> -> memref<160x128xi32, #tpu.memory_space<hbm>>
      tpu.enqueue_dma source(%dma_start3A_54 : memref<160x128xi32, #tpu.memory_space<hbm>>) target(%arg8 : memref<160x128xi32, #tpu.memory_space<vmem>>) target_semaphore(%run_scoped3A : memref<!tpu.dma_semaphore, #tpu.memory_space<semaphore_mem>>)
      %dma_wait3A = arith.constant 0 : i32
      %dma_wait3A_55 = tpu.memref_slice %arg4[%mul3A_6, %dma_wait3A] : memref<2560x128xi32, #tpu.memory_space<hbm>> -> memref<160x128xi32, #tpu.memory_space<hbm>>
      %dma_wait3A_56 = arith.constant 0 : i32
      %dma_wait3A_57 = tpu.memref_slice %arg4[%mul3A_6, %dma_wait3A_56] : memref<2560x128xi32, #tpu.memory_space<hbm>> -> memref<160x128xi32, #tpu.memory_space<hbm>>
      tpu.wait_dma2 semaphore(%run_scoped3A : memref<!tpu.dma_semaphore, #tpu.memory_space<semaphore_mem>>) src(%dma_wait3A_57 : memref<160x128xi32, #tpu.memory_space<hbm>>) dst(%arg8 : memref<160x128xi32, #tpu.memory_space<vmem>>)
      tpu.yield
    }) : () -> ()
    %barrier3A = arith.constant 0 : index
    tpu.barrier barrier_id(%barrier3A)
    %dma_start3A = arith.constant 0 : i32
    %dma_start3A_7 = arith.constant 0 : i32
    %dma_start3A_8 = tpu.memref_slice %arg7[%dma_start3A, %dma_start3A_7] : memref<160x128xi32, #tpu.memory_space<vmem>> -> memref<1x128xi32, #tpu.memory_space<vmem>>
    %dma_start3A_9 = tpu.memref_squeeze %dma_start3A_8 : memref<1x128xi32, #tpu.memory_space<vmem>> -> memref<128xi32, #tpu.memory_space<vmem>>
    %dma_start3A_10 = arith.constant 0 : i32
    %dma_start3A_11 = arith.constant 0 : i32
    %dma_start3A_12 = tpu.memref_slice %arg2[%dma_start3A_10, %dma_start3A_11] : memref<20000x64xf32, #tpu.memory_space<hbm>> -> memref<20000x64xf32, #tpu.memory_space<hbm>>
    tpu.enqueue_indirect_dma source(%dma_start3A_12 : memref<20000x64xf32, #tpu.memory_space<hbm>>) target(%arg9 : memref<128x64xf32, #tpu.memory_space<vmem>>) offsets(%dma_start3A_9 : memref<128xi32, #tpu.memory_space<vmem>>) semaphore(%arg15 : memref<!tpu.dma_semaphore, #tpu.memory_space<semaphore_mem>>)
    %dma_start3A_13 = arith.constant 1 : i32
    %dma_start3A_14 = arith.constant 0 : i32
    %dma_start3A_15 = tpu.memref_slice %arg7[%dma_start3A_13, %dma_start3A_14] : memref<160x128xi32, #tpu.memory_space<vmem>> -> memref<1x128xi32, #tpu.memory_space<vmem>>
    %dma_start3A_16 = tpu.memref_squeeze %dma_start3A_15 : memref<1x128xi32, #tpu.memory_space<vmem>> -> memref<128xi32, #tpu.memory_space<vmem>>
    %dma_start3A_17 = arith.constant 0 : i32
    %dma_start3A_18 = arith.constant 0 : i32
    %dma_start3A_19 = tpu.memref_slice %arg2[%dma_start3A_17, %dma_start3A_18] : memref<20000x64xf32, #tpu.memory_space<hbm>> -> memref<20000x64xf32, #tpu.memory_space<hbm>>
    tpu.enqueue_indirect_dma source(%dma_start3A_19 : memref<20000x64xf32, #tpu.memory_space<hbm>>) target(%arg10 : memref<128x64xf32, #tpu.memory_space<vmem>>) offsets(%dma_start3A_16 : memref<128xi32, #tpu.memory_space<vmem>>) semaphore(%arg16 : memref<!tpu.dma_semaphore, #tpu.memory_space<semaphore_mem>>)
    %dma_start3A_20 = arith.constant 2 : i32
    %dma_start3A_21 = arith.constant 0 : i32
    %dma_start3A_22 = tpu.memref_slice %arg7[%dma_start3A_20, %dma_start3A_21] : memref<160x128xi32, #tpu.memory_space<vmem>> -> memref<1x128xi32, #tpu.memory_space<vmem>>
    %dma_start3A_23 = tpu.memref_squeeze %dma_start3A_22 : memref<1x128xi32, #tpu.memory_space<vmem>> -> memref<128xi32, #tpu.memory_space<vmem>>
    %dma_start3A_24 = arith.constant 0 : i32
    %dma_start3A_25 = arith.constant 0 : i32
    %dma_start3A_26 = tpu.memref_slice %arg2[%dma_start3A_24, %dma_start3A_25] : memref<20000x64xf32, #tpu.memory_space<hbm>> -> memref<20000x64xf32, #tpu.memory_space<hbm>>
    tpu.enqueue_indirect_dma source(%dma_start3A_26 : memref<20000x64xf32, #tpu.memory_space<hbm>>) target(%arg11 : memref<128x64xf32, #tpu.memory_space<vmem>>) offsets(%dma_start3A_23 : memref<128xi32, #tpu.memory_space<vmem>>) semaphore(%arg17 : memref<!tpu.dma_semaphore, #tpu.memory_space<semaphore_mem>>)
    %dma_start3A_27 = arith.constant 3 : i32
    %dma_start3A_28 = arith.constant 0 : i32
    %dma_start3A_29 = tpu.memref_slice %arg7[%dma_start3A_27, %dma_start3A_28] : memref<160x128xi32, #tpu.memory_space<vmem>> -> memref<1x128xi32, #tpu.memory_space<vmem>>
    %dma_start3A_30 = tpu.memref_squeeze %dma_start3A_29 : memref<1x128xi32, #tpu.memory_space<vmem>> -> memref<128xi32, #tpu.memory_space<vmem>>
    %dma_start3A_31 = arith.constant 0 : i32
    %dma_start3A_32 = arith.constant 0 : i32
    %dma_start3A_33 = tpu.memref_slice %arg2[%dma_start3A_31, %dma_start3A_32] : memref<20000x64xf32, #tpu.memory_space<hbm>> -> memref<20000x64xf32, #tpu.memory_space<hbm>>
    tpu.enqueue_indirect_dma source(%dma_start3A_33 : memref<20000x64xf32, #tpu.memory_space<hbm>>) target(%arg12 : memref<128x64xf32, #tpu.memory_space<vmem>>) offsets(%dma_start3A_30 : memref<128xi32, #tpu.memory_space<vmem>>) semaphore(%arg18 : memref<!tpu.dma_semaphore, #tpu.memory_space<semaphore_mem>>)
    %dma_start3A_34 = arith.constant 4 : i32
    %dma_start3A_35 = arith.constant 0 : i32
    %dma_start3A_36 = tpu.memref_slice %arg7[%dma_start3A_34, %dma_start3A_35] : memref<160x128xi32, #tpu.memory_space<vmem>> -> memref<1x128xi32, #tpu.memory_space<vmem>>
    %dma_start3A_37 = tpu.memref_squeeze %dma_start3A_36 : memref<1x128xi32, #tpu.memory_space<vmem>> -> memref<128xi32, #tpu.memory_space<vmem>>
    %dma_start3A_38 = arith.constant 0 : i32
    %dma_start3A_39 = arith.constant 0 : i32
    %dma_start3A_40 = tpu.memref_slice %arg2[%dma_start3A_38, %dma_start3A_39] : memref<20000x64xf32, #tpu.memory_space<hbm>> -> memref<20000x64xf32, #tpu.memory_space<hbm>>
    tpu.enqueue_indirect_dma source(%dma_start3A_40 : memref<20000x64xf32, #tpu.memory_space<hbm>>) target(%arg13 : memref<128x64xf32, #tpu.memory_space<vmem>>) offsets(%dma_start3A_37 : memref<128xi32, #tpu.memory_space<vmem>>) semaphore(%arg19 : memref<!tpu.dma_semaphore, #tpu.memory_space<semaphore_mem>>)
    %scan3A = arith.constant 0 : i32
    %scan3A_41 = arith.constant 0 : i32
    %scan3A_42 = arith.constant 32 : i32
    %scan3A_43 = arith.addi %scan3A_41, %scan3A_42 : i32
    %scan3A_44 = arith.constant 1 : i32
    scf.for %scan3A_51 = %scan3A_41 to %scan3A_43 step %scan3A_44  : i32 {
      %mul3A_52 = arith.constant 5 : i32
      %mul3A_53 = arith.muli %scan3A_51, %mul3A_52 : i32
      %add3A = arith.constant 0 : i32
      %add3A_54 = arith.addi %mul3A_53, %add3A : i32
      %dma_wait3A = arith.constant 0 : i32
      %dma_wait3A_55 = tpu.memref_slice %arg7[%add3A_54, %dma_wait3A] : memref<160x128xi32, #tpu.memory_space<vmem>> -> memref<1x128xi32, #tpu.memory_space<vmem>>
      %dma_wait3A_56 = tpu.memref_squeeze %dma_wait3A_55 : memref<1x128xi32, #tpu.memory_space<vmem>> -> memref<128xi32, #tpu.memory_space<vmem>>
      %dma_wait3A_57 = arith.constant 0 : i32
      %dma_wait3A_58 = arith.constant 0 : i32
      %dma_wait3A_59 = tpu.memref_slice %arg2[%dma_wait3A_57, %dma_wait3A_58] : memref<20000x64xf32, #tpu.memory_space<hbm>> -> memref<20000x64xf32, #tpu.memory_space<hbm>>
      tpu.wait_indirect_dma semaphore(%arg15 : memref<!tpu.dma_semaphore, #tpu.memory_space<semaphore_mem>>) src(%dma_wait3A_59 : memref<20000x64xf32, #tpu.memory_space<hbm>>) dst(%arg9 : memref<128x64xf32, #tpu.memory_space<vmem>>)
      "tpu.region"() ({
        %run_scoped3A = tpu.sem_alloc : memref<!tpu.dma_semaphore, #tpu.memory_space<semaphore_mem>>
        %dma_start3A_132 = arith.constant 0 : i32
        %dma_start3A_133 = tpu.memref_slice %arg8[%add3A_54, %dma_start3A_132] : memref<160x128xi32, #tpu.memory_space<vmem>> -> memref<1x128xi32, #tpu.memory_space<vmem>>
        %dma_start3A_134 = tpu.memref_squeeze %dma_start3A_133 : memref<1x128xi32, #tpu.memory_space<vmem>> -> memref<128xi32, #tpu.memory_space<vmem>>
        %dma_start3A_135 = arith.constant 0 : i32
        %dma_start3A_136 = arith.constant 0 : i32
        %dma_start3A_137 = tpu.memref_slice %arg14[%dma_start3A_135, %dma_start3A_136] : memref<10112x64xf32, #tpu.memory_space<vmem_shared>> -> memref<10112x64xf32, #tpu.memory_space<vmem_shared>>
        tpu.enqueue_indirect_dma source(%arg9 : memref<128x64xf32, #tpu.memory_space<vmem>>) target(%dma_start3A_137 : memref<10112x64xf32, #tpu.memory_space<vmem_shared>>) offsets(%dma_start3A_134 : memref<128xi32, #tpu.memory_space<vmem>>) semaphore(%run_scoped3A : memref<!tpu.dma_semaphore, #tpu.memory_space<semaphore_mem>>) {add = true}
        %dma_wait3A_138 = arith.constant 0 : i32
        %dma_wait3A_139 = tpu.memref_slice %arg8[%add3A_54, %dma_wait3A_138] : memref<160x128xi32, #tpu.memory_space<vmem>> -> memref<1x128xi32, #tpu.memory_space<vmem>>
        %dma_wait3A_140 = tpu.memref_squeeze %dma_wait3A_139 : memref<1x128xi32, #tpu.memory_space<vmem>> -> memref<128xi32, #tpu.memory_space<vmem>>
        %dma_wait3A_141 = arith.constant 0 : i32
        %dma_wait3A_142 = arith.constant 0 : i32
        %dma_wait3A_143 = tpu.memref_slice %arg14[%dma_wait3A_141, %dma_wait3A_142] : memref<10112x64xf32, #tpu.memory_space<vmem_shared>> -> memref<10112x64xf32, #tpu.memory_space<vmem_shared>>
        tpu.wait_indirect_dma semaphore(%run_scoped3A : memref<!tpu.dma_semaphore, #tpu.memory_space<semaphore_mem>>) src(%arg9 : memref<128x64xf32, #tpu.memory_space<vmem>>) dst(%dma_wait3A_143 : memref<10112x64xf32, #tpu.memory_space<vmem_shared>>)
        tpu.yield
      }) : () -> ()
      %add3A_60 = arith.constant 5 : i32
      %add3A_61 = arith.addi %add3A_54, %add3A_60 : i32
      %lt3A = arith.constant 160 : i32
      %lt3A_62 = arith.cmpi slt, %add3A_61, %lt3A : i32
      %convert_element_type3A = arith.extui %lt3A_62 : i1 to i32
      %cond3A = arith.constant 0 : i32
      %cond3A_63 = arith.cmpi ne, %convert_element_type3A, %cond3A : i32
      scf.if %cond3A_63 {
        %add3A_132 = arith.constant 5 : i32
        %add3A_133 = arith.addi %add3A_54, %add3A_132 : i32
        %dma_start3A_134 = arith.constant 0 : i32
        %dma_start3A_135 = tpu.memref_slice %arg7[%add3A_133, %dma_start3A_134] : memref<160x128xi32, #tpu.memory_space<vmem>> -> memref<1x128xi32, #tpu.memory_space<vmem>>
        %dma_start3A_136 = tpu.memref_squeeze %dma_start3A_135 : memref<1x128xi32, #tpu.memory_space<vmem>> -> memref<128xi32, #tpu.memory_space<vmem>>
        %dma_start3A_137 = arith.constant 0 : i32
        %dma_start3A_138 = arith.constant 0 : i32
        %dma_start3A_139 = tpu.memref_slice %arg2[%dma_start3A_137, %dma_start3A_138] : memref<20000x64xf32, #tpu.memory_space<hbm>> -> memref<20000x64xf32, #tpu.memory_space<hbm>>
        tpu.enqueue_indirect_dma source(%dma_start3A_139 : memref<20000x64xf32, #tpu.memory_space<hbm>>) target(%arg9 : memref<128x64xf32, #tpu.memory_space<vmem>>) offsets(%dma_start3A_136 : memref<128xi32, #tpu.memory_space<vmem>>) semaphore(%arg15 : memref<!tpu.dma_semaphore, #tpu.memory_space<semaphore_mem>>)
      } else {
      }
      %mul3A_64 = arith.constant 5 : i32
      %mul3A_65 = arith.muli %scan3A_51, %mul3A_64 : i32
      %add3A_66 = arith.constant 1 : i32
      %add3A_67 = arith.addi %mul3A_65, %add3A_66 : i32
      %dma_wait3A_68 = arith.constant 0 : i32
      %dma_wait3A_69 = tpu.memref_slice %arg7[%add3A_67, %dma_wait3A_68] : memref<160x128xi32, #tpu.memory_space<vmem>> -> memref<1x128xi32, #tpu.memory_space<vmem>>
      %dma_wait3A_70 = tpu.memref_squeeze %dma_wait3A_69 : memref<1x128xi32, #tpu.memory_space<vmem>> -> memref<128xi32, #tpu.memory_space<vmem>>
      %dma_wait3A_71 = arith.constant 0 : i32
      %dma_wait3A_72 = arith.constant 0 : i32
      %dma_wait3A_73 = tpu.memref_slice %arg2[%dma_wait3A_71, %dma_wait3A_72] : memref<20000x64xf32, #tpu.memory_space<hbm>> -> memref<20000x64xf32, #tpu.memory_space<hbm>>
      tpu.wait_indirect_dma semaphore(%arg16 : memref<!tpu.dma_semaphore, #tpu.memory_space<semaphore_mem>>) src(%dma_wait3A_73 : memref<20000x64xf32, #tpu.memory_space<hbm>>) dst(%arg10 : memref<128x64xf32, #tpu.memory_space<vmem>>)
      "tpu.region"() ({
        %run_scoped3A = tpu.sem_alloc : memref<!tpu.dma_semaphore, #tpu.memory_space<semaphore_mem>>
        %dma_start3A_132 = arith.constant 0 : i32
        %dma_start3A_133 = tpu.memref_slice %arg8[%add3A_67, %dma_start3A_132] : memref<160x128xi32, #tpu.memory_space<vmem>> -> memref<1x128xi32, #tpu.memory_space<vmem>>
        %dma_start3A_134 = tpu.memref_squeeze %dma_start3A_133 : memref<1x128xi32, #tpu.memory_space<vmem>> -> memref<128xi32, #tpu.memory_space<vmem>>
        %dma_start3A_135 = arith.constant 0 : i32
        %dma_start3A_136 = arith.constant 0 : i32
        %dma_start3A_137 = tpu.memref_slice %arg14[%dma_start3A_135, %dma_start3A_136] : memref<10112x64xf32, #tpu.memory_space<vmem_shared>> -> memref<10112x64xf32, #tpu.memory_space<vmem_shared>>
        tpu.enqueue_indirect_dma source(%arg10 : memref<128x64xf32, #tpu.memory_space<vmem>>) target(%dma_start3A_137 : memref<10112x64xf32, #tpu.memory_space<vmem_shared>>) offsets(%dma_start3A_134 : memref<128xi32, #tpu.memory_space<vmem>>) semaphore(%run_scoped3A : memref<!tpu.dma_semaphore, #tpu.memory_space<semaphore_mem>>) {add = true}
        %dma_wait3A_138 = arith.constant 0 : i32
        %dma_wait3A_139 = tpu.memref_slice %arg8[%add3A_67, %dma_wait3A_138] : memref<160x128xi32, #tpu.memory_space<vmem>> -> memref<1x128xi32, #tpu.memory_space<vmem>>
        %dma_wait3A_140 = tpu.memref_squeeze %dma_wait3A_139 : memref<1x128xi32, #tpu.memory_space<vmem>> -> memref<128xi32, #tpu.memory_space<vmem>>
        %dma_wait3A_141 = arith.constant 0 : i32
        %dma_wait3A_142 = arith.constant 0 : i32
        %dma_wait3A_143 = tpu.memref_slice %arg14[%dma_wait3A_141, %dma_wait3A_142] : memref<10112x64xf32, #tpu.memory_space<vmem_shared>> -> memref<10112x64xf32, #tpu.memory_space<vmem_shared>>
        tpu.wait_indirect_dma semaphore(%run_scoped3A : memref<!tpu.dma_semaphore, #tpu.memory_space<semaphore_mem>>) src(%arg10 : memref<128x64xf32, #tpu.memory_space<vmem>>) dst(%dma_wait3A_143 : memref<10112x64xf32, #tpu.memory_space<vmem_shared>>)
        tpu.yield
      }) : () -> ()
      %add3A_74 = arith.constant 5 : i32
      %add3A_75 = arith.addi %add3A_67, %add3A_74 : i32
      %lt3A_76 = arith.constant 160 : i32
      %lt3A_77 = arith.cmpi slt, %add3A_75, %lt3A_76 : i32
      %convert_element_type3A_78 = arith.extui %lt3A_77 : i1 to i32
      %cond3A_79 = arith.constant 0 : i32
      %cond3A_80 = arith.cmpi ne, %convert_element_type3A_78, %cond3A_79 : i32
      scf.if %cond3A_80 {
        %add3A_132 = arith.constant 5 : i32
        %add3A_133 = arith.addi %add3A_67, %add3A_132 : i32
        %dma_start3A_134 = arith.constant 0 : i32
        %dma_start3A_135 = tpu.memref_slice %arg7[%add3A_133, %dma_start3A_134] : memref<160x128xi32, #tpu.memory_space<vmem>> -> memref<1x128xi32, #tpu.memory_space<vmem>>
        %dma_start3A_136 = tpu.memref_squeeze %dma_start3A_135 : memref<1x128xi32, #tpu.memory_space<vmem>> -> memref<128xi32, #tpu.memory_space<vmem>>
        %dma_start3A_137 = arith.constant 0 : i32
        %dma_start3A_138 = arith.constant 0 : i32
        %dma_start3A_139 = tpu.memref_slice %arg2[%dma_start3A_137, %dma_start3A_138] : memref<20000x64xf32, #tpu.memory_space<hbm>> -> memref<20000x64xf32, #tpu.memory_space<hbm>>
        tpu.enqueue_indirect_dma source(%dma_start3A_139 : memref<20000x64xf32, #tpu.memory_space<hbm>>) target(%arg10 : memref<128x64xf32, #tpu.memory_space<vmem>>) offsets(%dma_start3A_136 : memref<128xi32, #tpu.memory_space<vmem>>) semaphore(%arg16 : memref<!tpu.dma_semaphore, #tpu.memory_space<semaphore_mem>>)
      } else {
      }
      %mul3A_81 = arith.constant 5 : i32
      %mul3A_82 = arith.muli %scan3A_51, %mul3A_81 : i32
      %add3A_83 = arith.constant 2 : i32
      %add3A_84 = arith.addi %mul3A_82, %add3A_83 : i32
      %dma_wait3A_85 = arith.constant 0 : i32
      %dma_wait3A_86 = tpu.memref_slice %arg7[%add3A_84, %dma_wait3A_85] : memref<160x128xi32, #tpu.memory_space<vmem>> -> memref<1x128xi32, #tpu.memory_space<vmem>>
      %dma_wait3A_87 = tpu.memref_squeeze %dma_wait3A_86 : memref<1x128xi32, #tpu.memory_space<vmem>> -> memref<128xi32, #tpu.memory_space<vmem>>
      %dma_wait3A_88 = arith.constant 0 : i32
      %dma_wait3A_89 = arith.constant 0 : i32
      %dma_wait3A_90 = tpu.memref_slice %arg2[%dma_wait3A_88, %dma_wait3A_89] : memref<20000x64xf32, #tpu.memory_space<hbm>> -> memref<20000x64xf32, #tpu.memory_space<hbm>>
      tpu.wait_indirect_dma semaphore(%arg17 : memref<!tpu.dma_semaphore, #tpu.memory_space<semaphore_mem>>) src(%dma_wait3A_90 : memref<20000x64xf32, #tpu.memory_space<hbm>>) dst(%arg11 : memref<128x64xf32, #tpu.memory_space<vmem>>)
      "tpu.region"() ({
        %run_scoped3A = tpu.sem_alloc : memref<!tpu.dma_semaphore, #tpu.memory_space<semaphore_mem>>
        %dma_start3A_132 = arith.constant 0 : i32
        %dma_start3A_133 = tpu.memref_slice %arg8[%add3A_84, %dma_start3A_132] : memref<160x128xi32, #tpu.memory_space<vmem>> -> memref<1x128xi32, #tpu.memory_space<vmem>>
        %dma_start3A_134 = tpu.memref_squeeze %dma_start3A_133 : memref<1x128xi32, #tpu.memory_space<vmem>> -> memref<128xi32, #tpu.memory_space<vmem>>
        %dma_start3A_135 = arith.constant 0 : i32
        %dma_start3A_136 = arith.constant 0 : i32
        %dma_start3A_137 = tpu.memref_slice %arg14[%dma_start3A_135, %dma_start3A_136] : memref<10112x64xf32, #tpu.memory_space<vmem_shared>> -> memref<10112x64xf32, #tpu.memory_space<vmem_shared>>
        tpu.enqueue_indirect_dma source(%arg11 : memref<128x64xf32, #tpu.memory_space<vmem>>) target(%dma_start3A_137 : memref<10112x64xf32, #tpu.memory_space<vmem_shared>>) offsets(%dma_start3A_134 : memref<128xi32, #tpu.memory_space<vmem>>) semaphore(%run_scoped3A : memref<!tpu.dma_semaphore, #tpu.memory_space<semaphore_mem>>) {add = true}
        %dma_wait3A_138 = arith.constant 0 : i32
        %dma_wait3A_139 = tpu.memref_slice %arg8[%add3A_84, %dma_wait3A_138] : memref<160x128xi32, #tpu.memory_space<vmem>> -> memref<1x128xi32, #tpu.memory_space<vmem>>
        %dma_wait3A_140 = tpu.memref_squeeze %dma_wait3A_139 : memref<1x128xi32, #tpu.memory_space<vmem>> -> memref<128xi32, #tpu.memory_space<vmem>>
        %dma_wait3A_141 = arith.constant 0 : i32
        %dma_wait3A_142 = arith.constant 0 : i32
        %dma_wait3A_143 = tpu.memref_slice %arg14[%dma_wait3A_141, %dma_wait3A_142] : memref<10112x64xf32, #tpu.memory_space<vmem_shared>> -> memref<10112x64xf32, #tpu.memory_space<vmem_shared>>
        tpu.wait_indirect_dma semaphore(%run_scoped3A : memref<!tpu.dma_semaphore, #tpu.memory_space<semaphore_mem>>) src(%arg11 : memref<128x64xf32, #tpu.memory_space<vmem>>) dst(%dma_wait3A_143 : memref<10112x64xf32, #tpu.memory_space<vmem_shared>>)
        tpu.yield
      }) : () -> ()
      %add3A_91 = arith.constant 5 : i32
      %add3A_92 = arith.addi %add3A_84, %add3A_91 : i32
      %lt3A_93 = arith.constant 160 : i32
      %lt3A_94 = arith.cmpi slt, %add3A_92, %lt3A_93 : i32
      %convert_element_type3A_95 = arith.extui %lt3A_94 : i1 to i32
      %cond3A_96 = arith.constant 0 : i32
      %cond3A_97 = arith.cmpi ne, %convert_element_type3A_95, %cond3A_96 : i32
      scf.if %cond3A_97 {
        %add3A_132 = arith.constant 5 : i32
        %add3A_133 = arith.addi %add3A_84, %add3A_132 : i32
        %dma_start3A_134 = arith.constant 0 : i32
        %dma_start3A_135 = tpu.memref_slice %arg7[%add3A_133, %dma_start3A_134] : memref<160x128xi32, #tpu.memory_space<vmem>> -> memref<1x128xi32, #tpu.memory_space<vmem>>
        %dma_start3A_136 = tpu.memref_squeeze %dma_start3A_135 : memref<1x128xi32, #tpu.memory_space<vmem>> -> memref<128xi32, #tpu.memory_space<vmem>>
        %dma_start3A_137 = arith.constant 0 : i32
        %dma_start3A_138 = arith.constant 0 : i32
        %dma_start3A_139 = tpu.memref_slice %arg2[%dma_start3A_137, %dma_start3A_138] : memref<20000x64xf32, #tpu.memory_space<hbm>> -> memref<20000x64xf32, #tpu.memory_space<hbm>>
        tpu.enqueue_indirect_dma source(%dma_start3A_139 : memref<20000x64xf32, #tpu.memory_space<hbm>>) target(%arg11 : memref<128x64xf32, #tpu.memory_space<vmem>>) offsets(%dma_start3A_136 : memref<128xi32, #tpu.memory_space<vmem>>) semaphore(%arg17 : memref<!tpu.dma_semaphore, #tpu.memory_space<semaphore_mem>>)
      } else {
      }
      %mul3A_98 = arith.constant 5 : i32
      %mul3A_99 = arith.muli %scan3A_51, %mul3A_98 : i32
      %add3A_100 = arith.constant 3 : i32
      %add3A_101 = arith.addi %mul3A_99, %add3A_100 : i32
      %dma_wait3A_102 = arith.constant 0 : i32
      %dma_wait3A_103 = tpu.memref_slice %arg7[%add3A_101, %dma_wait3A_102] : memref<160x128xi32, #tpu.memory_space<vmem>> -> memref<1x128xi32, #tpu.memory_space<vmem>>
      %dma_wait3A_104 = tpu.memref_squeeze %dma_wait3A_103 : memref<1x128xi32, #tpu.memory_space<vmem>> -> memref<128xi32, #tpu.memory_space<vmem>>
      %dma_wait3A_105 = arith.constant 0 : i32
      %dma_wait3A_106 = arith.constant 0 : i32
      %dma_wait3A_107 = tpu.memref_slice %arg2[%dma_wait3A_105, %dma_wait3A_106] : memref<20000x64xf32, #tpu.memory_space<hbm>> -> memref<20000x64xf32, #tpu.memory_space<hbm>>
      tpu.wait_indirect_dma semaphore(%arg18 : memref<!tpu.dma_semaphore, #tpu.memory_space<semaphore_mem>>) src(%dma_wait3A_107 : memref<20000x64xf32, #tpu.memory_space<hbm>>) dst(%arg12 : memref<128x64xf32, #tpu.memory_space<vmem>>)
      "tpu.region"() ({
        %run_scoped3A = tpu.sem_alloc : memref<!tpu.dma_semaphore, #tpu.memory_space<semaphore_mem>>
        %dma_start3A_132 = arith.constant 0 : i32
        %dma_start3A_133 = tpu.memref_slice %arg8[%add3A_101, %dma_start3A_132] : memref<160x128xi32, #tpu.memory_space<vmem>> -> memref<1x128xi32, #tpu.memory_space<vmem>>
        %dma_start3A_134 = tpu.memref_squeeze %dma_start3A_133 : memref<1x128xi32, #tpu.memory_space<vmem>> -> memref<128xi32, #tpu.memory_space<vmem>>
        %dma_start3A_135 = arith.constant 0 : i32
        %dma_start3A_136 = arith.constant 0 : i32
        %dma_start3A_137 = tpu.memref_slice %arg14[%dma_start3A_135, %dma_start3A_136] : memref<10112x64xf32, #tpu.memory_space<vmem_shared>> -> memref<10112x64xf32, #tpu.memory_space<vmem_shared>>
        tpu.enqueue_indirect_dma source(%arg12 : memref<128x64xf32, #tpu.memory_space<vmem>>) target(%dma_start3A_137 : memref<10112x64xf32, #tpu.memory_space<vmem_shared>>) offsets(%dma_start3A_134 : memref<128xi32, #tpu.memory_space<vmem>>) semaphore(%run_scoped3A : memref<!tpu.dma_semaphore, #tpu.memory_space<semaphore_mem>>) {add = true}
        %dma_wait3A_138 = arith.constant 0 : i32
        %dma_wait3A_139 = tpu.memref_slice %arg8[%add3A_101, %dma_wait3A_138] : memref<160x128xi32, #tpu.memory_space<vmem>> -> memref<1x128xi32, #tpu.memory_space<vmem>>
        %dma_wait3A_140 = tpu.memref_squeeze %dma_wait3A_139 : memref<1x128xi32, #tpu.memory_space<vmem>> -> memref<128xi32, #tpu.memory_space<vmem>>
        %dma_wait3A_141 = arith.constant 0 : i32
        %dma_wait3A_142 = arith.constant 0 : i32
        %dma_wait3A_143 = tpu.memref_slice %arg14[%dma_wait3A_141, %dma_wait3A_142] : memref<10112x64xf32, #tpu.memory_space<vmem_shared>> -> memref<10112x64xf32, #tpu.memory_space<vmem_shared>>
        tpu.wait_indirect_dma semaphore(%run_scoped3A : memref<!tpu.dma_semaphore, #tpu.memory_space<semaphore_mem>>) src(%arg12 : memref<128x64xf32, #tpu.memory_space<vmem>>) dst(%dma_wait3A_143 : memref<10112x64xf32, #tpu.memory_space<vmem_shared>>)
        tpu.yield
      }) : () -> ()
      %add3A_108 = arith.constant 5 : i32
      %add3A_109 = arith.addi %add3A_101, %add3A_108 : i32
      %lt3A_110 = arith.constant 160 : i32
      %lt3A_111 = arith.cmpi slt, %add3A_109, %lt3A_110 : i32
      %convert_element_type3A_112 = arith.extui %lt3A_111 : i1 to i32
      %cond3A_113 = arith.constant 0 : i32
      %cond3A_114 = arith.cmpi ne, %convert_element_type3A_112, %cond3A_113 : i32
      scf.if %cond3A_114 {
        %add3A_132 = arith.constant 5 : i32
        %add3A_133 = arith.addi %add3A_101, %add3A_132 : i32
        %dma_start3A_134 = arith.constant 0 : i32
        %dma_start3A_135 = tpu.memref_slice %arg7[%add3A_133, %dma_start3A_134] : memref<160x128xi32, #tpu.memory_space<vmem>> -> memref<1x128xi32, #tpu.memory_space<vmem>>
        %dma_start3A_136 = tpu.memref_squeeze %dma_start3A_135 : memref<1x128xi32, #tpu.memory_space<vmem>> -> memref<128xi32, #tpu.memory_space<vmem>>
        %dma_start3A_137 = arith.constant 0 : i32
        %dma_start3A_138 = arith.constant 0 : i32
        %dma_start3A_139 = tpu.memref_slice %arg2[%dma_start3A_137, %dma_start3A_138] : memref<20000x64xf32, #tpu.memory_space<hbm>> -> memref<20000x64xf32, #tpu.memory_space<hbm>>
        tpu.enqueue_indirect_dma source(%dma_start3A_139 : memref<20000x64xf32, #tpu.memory_space<hbm>>) target(%arg12 : memref<128x64xf32, #tpu.memory_space<vmem>>) offsets(%dma_start3A_136 : memref<128xi32, #tpu.memory_space<vmem>>) semaphore(%arg18 : memref<!tpu.dma_semaphore, #tpu.memory_space<semaphore_mem>>)
      } else {
      }
      %mul3A_115 = arith.constant 5 : i32
      %mul3A_116 = arith.muli %scan3A_51, %mul3A_115 : i32
      %add3A_117 = arith.constant 4 : i32
      %add3A_118 = arith.addi %mul3A_116, %add3A_117 : i32
      %dma_wait3A_119 = arith.constant 0 : i32
      %dma_wait3A_120 = tpu.memref_slice %arg7[%add3A_118, %dma_wait3A_119] : memref<160x128xi32, #tpu.memory_space<vmem>> -> memref<1x128xi32, #tpu.memory_space<vmem>>
      %dma_wait3A_121 = tpu.memref_squeeze %dma_wait3A_120 : memref<1x128xi32, #tpu.memory_space<vmem>> -> memref<128xi32, #tpu.memory_space<vmem>>
      %dma_wait3A_122 = arith.constant 0 : i32
      %dma_wait3A_123 = arith.constant 0 : i32
      %dma_wait3A_124 = tpu.memref_slice %arg2[%dma_wait3A_122, %dma_wait3A_123] : memref<20000x64xf32, #tpu.memory_space<hbm>> -> memref<20000x64xf32, #tpu.memory_space<hbm>>
      tpu.wait_indirect_dma semaphore(%arg19 : memref<!tpu.dma_semaphore, #tpu.memory_space<semaphore_mem>>) src(%dma_wait3A_124 : memref<20000x64xf32, #tpu.memory_space<hbm>>) dst(%arg13 : memref<128x64xf32, #tpu.memory_space<vmem>>)
      "tpu.region"() ({
        %run_scoped3A = tpu.sem_alloc : memref<!tpu.dma_semaphore, #tpu.memory_space<semaphore_mem>>
        %dma_start3A_132 = arith.constant 0 : i32
        %dma_start3A_133 = tpu.memref_slice %arg8[%add3A_118, %dma_start3A_132] : memref<160x128xi32, #tpu.memory_space<vmem>> -> memref<1x128xi32, #tpu.memory_space<vmem>>
        %dma_start3A_134 = tpu.memref_squeeze %dma_start3A_133 : memref<1x128xi32, #tpu.memory_space<vmem>> -> memref<128xi32, #tpu.memory_space<vmem>>
        %dma_start3A_135 = arith.constant 0 : i32
        %dma_start3A_136 = arith.constant 0 : i32
        %dma_start3A_137 = tpu.memref_slice %arg14[%dma_start3A_135, %dma_start3A_136] : memref<10112x64xf32, #tpu.memory_space<vmem_shared>> -> memref<10112x64xf32, #tpu.memory_space<vmem_shared>>
        tpu.enqueue_indirect_dma source(%arg13 : memref<128x64xf32, #tpu.memory_space<vmem>>) target(%dma_start3A_137 : memref<10112x64xf32, #tpu.memory_space<vmem_shared>>) offsets(%dma_start3A_134 : memref<128xi32, #tpu.memory_space<vmem>>) semaphore(%run_scoped3A : memref<!tpu.dma_semaphore, #tpu.memory_space<semaphore_mem>>) {add = true}
        %dma_wait3A_138 = arith.constant 0 : i32
        %dma_wait3A_139 = tpu.memref_slice %arg8[%add3A_118, %dma_wait3A_138] : memref<160x128xi32, #tpu.memory_space<vmem>> -> memref<1x128xi32, #tpu.memory_space<vmem>>
        %dma_wait3A_140 = tpu.memref_squeeze %dma_wait3A_139 : memref<1x128xi32, #tpu.memory_space<vmem>> -> memref<128xi32, #tpu.memory_space<vmem>>
        %dma_wait3A_141 = arith.constant 0 : i32
        %dma_wait3A_142 = arith.constant 0 : i32
        %dma_wait3A_143 = tpu.memref_slice %arg14[%dma_wait3A_141, %dma_wait3A_142] : memref<10112x64xf32, #tpu.memory_space<vmem_shared>> -> memref<10112x64xf32, #tpu.memory_space<vmem_shared>>
        tpu.wait_indirect_dma semaphore(%run_scoped3A : memref<!tpu.dma_semaphore, #tpu.memory_space<semaphore_mem>>) src(%arg13 : memref<128x64xf32, #tpu.memory_space<vmem>>) dst(%dma_wait3A_143 : memref<10112x64xf32, #tpu.memory_space<vmem_shared>>)
        tpu.yield
      }) : () -> ()
      %add3A_125 = arith.constant 5 : i32
      %add3A_126 = arith.addi %add3A_118, %add3A_125 : i32
      %lt3A_127 = arith.constant 160 : i32
      %lt3A_128 = arith.cmpi slt, %add3A_126, %lt3A_127 : i32
      %convert_element_type3A_129 = arith.extui %lt3A_128 : i1 to i32
      %cond3A_130 = arith.constant 0 : i32
      %cond3A_131 = arith.cmpi ne, %convert_element_type3A_129, %cond3A_130 : i32
      scf.if %cond3A_131 {
        %add3A_132 = arith.constant 5 : i32
        %add3A_133 = arith.addi %add3A_118, %add3A_132 : i32
        %dma_start3A_134 = arith.constant 0 : i32
        %dma_start3A_135 = tpu.memref_slice %arg7[%add3A_133, %dma_start3A_134] : memref<160x128xi32, #tpu.memory_space<vmem>> -> memref<1x128xi32, #tpu.memory_space<vmem>>
        %dma_start3A_136 = tpu.memref_squeeze %dma_start3A_135 : memref<1x128xi32, #tpu.memory_space<vmem>> -> memref<128xi32, #tpu.memory_space<vmem>>
        %dma_start3A_137 = arith.constant 0 : i32
        %dma_start3A_138 = arith.constant 0 : i32
        %dma_start3A_139 = tpu.memref_slice %arg2[%dma_start3A_137, %dma_start3A_138] : memref<20000x64xf32, #tpu.memory_space<hbm>> -> memref<20000x64xf32, #tpu.memory_space<hbm>>
        tpu.enqueue_indirect_dma source(%dma_start3A_139 : memref<20000x64xf32, #tpu.memory_space<hbm>>) target(%arg13 : memref<128x64xf32, #tpu.memory_space<vmem>>) offsets(%dma_start3A_136 : memref<128xi32, #tpu.memory_space<vmem>>) semaphore(%arg19 : memref<!tpu.dma_semaphore, #tpu.memory_space<semaphore_mem>>)
      } else {
      }
    }
    %scan3A_45 = arith.constant 32 : i32
    %barrier3A_46 = arith.constant 0 : index
    tpu.barrier barrier_id(%barrier3A_46)
    %mul3A_47 = arith.constant 632 : i32
    %mul3A_48 = arith.muli %arg1, %mul3A_47 : i32
    %mul3A_49 = arith.constant 632 : i32
    %mul3A_50 = arith.muli %arg1, %mul3A_49 : i32
    "tpu.region"() ({
      %run_scoped3A = tpu.sem_alloc : memref<!tpu.dma_semaphore, #tpu.memory_space<semaphore_mem>>
      %dma_start3A_51 = arith.constant 0 : i32
      %dma_start3A_52 = tpu.memref_slice %arg6[%arg0, %mul3A_50, %dma_start3A_51] : memref<2x10112x64xf32, #tpu.memory_space<hbm>> -> memref<1x632x64xf32, #tpu.memory_space<hbm>>
      %dma_start3A_53 = tpu.memref_squeeze %dma_start3A_52 : memref<1x632x64xf32, #tpu.memory_space<hbm>> -> memref<632x64xf32, #tpu.memory_space<hbm>>
      %dma_start3A_54 = arith.constant 0 : i32
      %dma_start3A_55 = tpu.memref_slice %arg14[%mul3A_48, %dma_start3A_54] : memref<10112x64xf32, #tpu.memory_space<vmem_shared>> -> memref<632x64xf32, #tpu.memory_space<vmem_shared>>
      tpu.enqueue_dma source(%dma_start3A_55 : memref<632x64xf32, #tpu.memory_space<vmem_shared>>) target(%dma_start3A_53 : memref<632x64xf32, #tpu.memory_space<hbm>>) target_semaphore(%run_scoped3A : memref<!tpu.dma_semaphore, #tpu.memory_space<semaphore_mem>>)
      %dma_wait3A = arith.constant 0 : i32
      %dma_wait3A_56 = tpu.memref_slice %arg6[%arg0, %mul3A_50, %dma_wait3A] : memref<2x10112x64xf32, #tpu.memory_space<hbm>> -> memref<1x632x64xf32, #tpu.memory_space<hbm>>
      %dma_wait3A_57 = tpu.memref_squeeze %dma_wait3A_56 : memref<1x632x64xf32, #tpu.memory_space<hbm>> -> memref<632x64xf32, #tpu.memory_space<hbm>>
      %dma_wait3A_58 = arith.constant 0 : i32
      %dma_wait3A_59 = tpu.memref_slice %arg14[%mul3A_48, %dma_wait3A_58] : memref<10112x64xf32, #tpu.memory_space<vmem_shared>> -> memref<632x64xf32, #tpu.memory_space<vmem_shared>>
      tpu.wait_dma2 semaphore(%run_scoped3A : memref<!tpu.dma_semaphore, #tpu.memory_space<semaphore_mem>>) src(%dma_wait3A_59 : memref<632x64xf32, #tpu.memory_space<vmem_shared>>) dst(%dma_wait3A_57 : memref<632x64xf32, #tpu.memory_space<hbm>>)
      tpu.yield
    }) : () -> ()
    return
  }
}

module attributes {stable_mosaic.version = 14 : i64} {
  func.func @_tc1_body(%arg0: i32, %arg1: memref<2x2000x64xf32, #tpu.memory_space<vmem>>, %arg2: memref<2x2000x8xf32, #tpu.memory_space<vmem>>, %arg3: memref<128x128xf32, #tpu.memory_space<vmem>>, %arg4: memref<1x128xf32, #tpu.memory_space<vmem>>, %arg5: memref<2x2000x64xf32, #tpu.memory_space<vmem>>) attributes {dimension_semantics = [#tpu.dimension_semantics<arbitrary>], iteration_bounds = array<i64: 5>, scalar_prefetch = 0 : i64, scratch_operands = 0 : i64, tpu.core_type = #tpu.core_type<tc>, window_params = [{transform_indices = @transform_0, window_bounds = array<i64: 2, 2000, 64>}, {transform_indices = @transform_1, window_bounds = array<i64: 2, 2000, 8>}, {pipeline_mode = #tpu.pipeline_mode<synchronous>, transform_indices = @transform_2, window_bounds = array<i64: 128, 128>}, {pipeline_mode = #tpu.pipeline_mode<synchronous>, transform_indices = @transform_3, window_bounds = array<i64: 1, 128>}, {transform_indices = @transform_4, window_bounds = array<i64: 2, 2000, 64>}]} {
    %get3A = arith.constant 0 : index
    %get3A_0 = arith.constant 0 : index
    %get3A_1 = arith.constant 0 : index
    %get3A_2 = vector.load %arg1[%get3A, %get3A_0, %get3A_1] : memref<2x2000x64xf32, #tpu.memory_space<vmem>>, vector<1x2000x64xf32>
    %get3A_3 = vector.shape_cast %get3A_2 : vector<1x2000x64xf32> to vector<2000x64xf32>
    %get3A_4 = arith.constant 1 : index
    %get3A_5 = arith.constant 0 : index
    %get3A_6 = arith.constant 0 : index
    %get3A_7 = vector.load %arg1[%get3A_4, %get3A_5, %get3A_6] : memref<2x2000x64xf32, #tpu.memory_space<vmem>>, vector<1x2000x64xf32>
    %get3A_8 = vector.shape_cast %get3A_7 : vector<1x2000x64xf32> to vector<2000x64xf32>
    %concatenate3A = tpu.concatenate %get3A_3, %get3A_8 in 1 : vector<2000x64xf32>, vector<2000x64xf32> -> vector<2000x128xf32>
    %get3A_9 = arith.constant 0 : index
    %get3A_10 = arith.constant 0 : index
    %get3A_11 = arith.constant 0 : index
    %get3A_12 = vector.load %arg2[%get3A_9, %get3A_10, %get3A_11] : memref<2x2000x8xf32, #tpu.memory_space<vmem>>, vector<1x2000x8xf32>
    %get3A_13 = vector.shape_cast %get3A_12 : vector<1x2000x8xf32> to vector<2000x8xf32>
    %get3A_14 = arith.constant 1 : index
    %get3A_15 = arith.constant 0 : index
    %get3A_16 = arith.constant 0 : index
    %get3A_17 = vector.load %arg2[%get3A_14, %get3A_15, %get3A_16] : memref<2x2000x8xf32, #tpu.memory_space<vmem>>, vector<1x2000x8xf32>
    %get3A_18 = vector.shape_cast %get3A_17 : vector<1x2000x8xf32> to vector<2000x8xf32>
    %add3A = arith.addf %get3A_13, %get3A_18 : vector<2000x8xf32>
    %slice3A = vector.extract_strided_slice %add3A {offsets = [0, 0], sizes = [2000, 1], strides = [1, 1]} : vector<2000x8xf32> to vector<2000x1xf32>
    %max3A = arith.constant 1.000000e+00 : f32
    %max3A_19 = vector.broadcast %max3A : f32 to vector<2000x1xf32>
    %max3A_20 = arith.maximumf %slice3A, %max3A_19 : vector<2000x1xf32>
    %div3A = vector.broadcast %max3A_20 : vector<2000x1xf32> to vector<2000x128xf32>
    %div3A_21 = arith.divf %concatenate3A, %div3A : vector<2000x128xf32>
    %get3A_22 = arith.constant 0 : index
    %get3A_23 = arith.constant 0 : index
    %get3A_24 = vector.load %arg3[%get3A_22, %get3A_23] : memref<128x128xf32, #tpu.memory_space<vmem>>, vector<128x128xf32>
    %dot_general3A = arith.constant dense<0.000000e+00> : vector<2000x128xf32>
    %dot_general3A_25 = tpu.matmul %div3A_21, %get3A_24, %dot_general3A {dimension_numbers = #tpu.dot_dimension_numbers<[1], [0], [0], [1], [0, 0, 1, 1], [], []>, transpose_lhs_hint = false} : vector<2000x128xf32>, vector<128x128xf32>, vector<2000x128xf32> -> vector<2000x128xf32>
    %get3A_26 = arith.constant 0 : index
    %get3A_27 = arith.constant 0 : index
    %get3A_28 = vector.load %arg4[%get3A_26, %get3A_27] : memref<1x128xf32, #tpu.memory_space<vmem>>, vector<1x128xf32>
    %add3A_29 = vector.broadcast %get3A_28 : vector<1x128xf32> to vector<2000x128xf32>
    %add3A_30 = arith.addf %dot_general3A_25, %add3A_29 : vector<2000x128xf32>
    %max3A_31 = arith.constant 0.000000e+00 : f32
    %max3A_32 = vector.broadcast %max3A_31 : f32 to vector<2000x128xf32>
    %max3A_33 = arith.maximumf %add3A_30, %max3A_32 : vector<2000x128xf32>
    %slice3A_34 = vector.extract_strided_slice %max3A_33 {offsets = [0, 0], sizes = [2000, 64], strides = [1, 1]} : vector<2000x128xf32> to vector<2000x64xf32>
    %swap3A = arith.constant 0 : index
    %swap3A_35 = arith.constant 0 : index
    %swap3A_36 = arith.constant 0 : index
    %swap3A_37 = vector.load %arg5[%swap3A, %swap3A_35, %swap3A_36] : memref<2x2000x64xf32, #tpu.memory_space<vmem>>, vector<1x2000x64xf32>
    %swap3A_38 = vector.shape_cast %swap3A_37 : vector<1x2000x64xf32> to vector<2000x64xf32>
    %swap3A_39 = vector.shape_cast %slice3A_34 : vector<2000x64xf32> to vector<1x2000x64xf32>
    tpu.vector_store %arg5[%swap3A, %swap3A_35, %swap3A_36], %swap3A_39 {strides = array<i32>} : memref<2x2000x64xf32, #tpu.memory_space<vmem>>, vector<1x2000x64xf32>,
    %slice3A_40 = vector.extract_strided_slice %max3A_33 {offsets = [0, 64], sizes = [2000, 64], strides = [1, 1]} : vector<2000x128xf32> to vector<2000x64xf32>
    %swap3A_41 = arith.constant 1 : index
    %swap3A_42 = arith.constant 0 : index
    %swap3A_43 = arith.constant 0 : index
    %swap3A_44 = vector.load %arg5[%swap3A_41, %swap3A_42, %swap3A_43] : memref<2x2000x64xf32, #tpu.memory_space<vmem>>, vector<1x2000x64xf32>
    %swap3A_45 = vector.shape_cast %swap3A_44 : vector<1x2000x64xf32> to vector<2000x64xf32>
    %swap3A_46 = vector.shape_cast %slice3A_40 : vector<2000x64xf32> to vector<1x2000x64xf32>
    tpu.vector_store %arg5[%swap3A_41, %swap3A_42, %swap3A_43], %swap3A_46 {strides = array<i32>} : memref<2x2000x64xf32, #tpu.memory_space<vmem>>, vector<1x2000x64xf32>,
    return
  }
  func.func @transform_0(%arg0: i32) -> (i32, i32, i32) {
    %c0_i32 = arith.constant 0 : i32
    %c0_i32_0 = arith.constant 0 : i32
    %c0_i32_1 = arith.constant 0 : i32
    return %c0_i32, %arg0, %c0_i32_0 : i32, i32, i32
  }
  func.func @transform_1(%arg0: i32) -> (i32, i32, i32) {
    %c0_i32 = arith.constant 0 : i32
    %c0_i32_0 = arith.constant 0 : i32
    %c0_i32_1 = arith.constant 0 : i32
    return %c0_i32, %arg0, %c0_i32_0 : i32, i32, i32
  }
  func.func @transform_2(%arg0: i32) -> (i32, i32) {
    %c0_i32 = arith.constant 0 : i32
    %c0_i32_0 = arith.constant 0 : i32
    %c0_i32_1 = arith.constant 0 : i32
    return %c0_i32, %c0_i32_0 : i32, i32
  }
  func.func @transform_3(%arg0: i32) -> (i32, i32) {
    %c0_i32 = arith.constant 0 : i32
    %c0_i32_0 = arith.constant 0 : i32
    %c0_i32_1 = arith.constant 0 : i32
    return %c0_i32, %c0_i32_0 : i32, i32
  }
  func.func @transform_4(%arg0: i32) -> (i32, i32, i32) {
    %c0_i32 = arith.constant 0 : i32
    %c0_i32_0 = arith.constant 0 : i32
    %c0_i32_1 = arith.constant 0 : i32
    return %c0_i32, %arg0, %c0_i32_0 : i32, i32, i32
  }
}

module attributes {stable_mosaic.version = 14 : i64} {
  func.func @_tc2_body(%arg0: i32, %arg1: memref<2x2000x64xf32, #tpu.memory_space<vmem>>, %arg2: memref<2x2000x8xf32, #tpu.memory_space<vmem>>, %arg3: memref<128x128xf32, #tpu.memory_space<vmem>>, %arg4: memref<1x128xf32, #tpu.memory_space<vmem>>, %arg5: memref<128x256xf32, #tpu.memory_space<vmem>>, %arg6: memref<1x256xf32, #tpu.memory_space<vmem>>, %arg7: memref<256x64xf32, #tpu.memory_space<vmem>>, %arg8: memref<1x64xf32, #tpu.memory_space<vmem>>, %arg9: memref<128x256xf32, #tpu.memory_space<vmem>>, %arg10: memref<1x256xf32, #tpu.memory_space<vmem>>, %arg11: memref<256x1xf32, #tpu.memory_space<vmem>>, %arg12: memref<1x1xf32, #tpu.memory_space<vmem>>, %arg13: memref<1x64xf32, #tpu.memory_space<vmem>>, %arg14: memref<1x128xf32, #tpu.memory_space<vmem>>) attributes {dimension_semantics = [#tpu.dimension_semantics<arbitrary>], iteration_bounds = array<i64: 5>, scalar_prefetch = 0 : i64, scratch_operands = 1 : i64, tpu.core_type = #tpu.core_type<tc>, window_params = [{transform_indices = @transform_0, window_bounds = array<i64: 2, 2000, 64>}, {transform_indices = @transform_1, window_bounds = array<i64: 2, 2000, 8>}, {pipeline_mode = #tpu.pipeline_mode<synchronous>, transform_indices = @transform_2, window_bounds = array<i64: 128, 128>}, {pipeline_mode = #tpu.pipeline_mode<synchronous>, transform_indices = @transform_3, window_bounds = array<i64: 1, 128>}, {pipeline_mode = #tpu.pipeline_mode<synchronous>, transform_indices = @transform_4, window_bounds = array<i64: 128, 256>}, {pipeline_mode = #tpu.pipeline_mode<synchronous>, transform_indices = @transform_5, window_bounds = array<i64: 1, 256>}, {pipeline_mode = #tpu.pipeline_mode<synchronous>, transform_indices = @transform_6, window_bounds = array<i64: 256, 64>}, {pipeline_mode = #tpu.pipeline_mode<synchronous>, transform_indices = @transform_7, window_bounds = array<i64: 1, 64>}, {pipeline_mode = #tpu.pipeline_mode<synchronous>, transform_indices = @transform_8, window_bounds = array<i64: 128, 256>}, {pipeline_mode = #tpu.pipeline_mode<synchronous>, transform_indices = @transform_9, window_bounds = array<i64: 1, 256>}, {pipeline_mode = #tpu.pipeline_mode<synchronous>, transform_indices = @transform_10, window_bounds = array<i64: 256, 1>}, {pipeline_mode = #tpu.pipeline_mode<synchronous>, transform_indices = @transform_11, window_bounds = array<i64: 1, 1>}, {pipeline_mode = #tpu.pipeline_mode<synchronous>, transform_indices = @transform_12, window_bounds = array<i64: 1, 64>}]} {
    %get3A = arith.constant 0 : index
    %get3A_0 = arith.constant 0 : index
    %get3A_1 = arith.constant 0 : index
    %get3A_2 = vector.load %arg1[%get3A, %get3A_0, %get3A_1] : memref<2x2000x64xf32, #tpu.memory_space<vmem>>, vector<1x2000x64xf32>
    %get3A_3 = vector.shape_cast %get3A_2 : vector<1x2000x64xf32> to vector<2000x64xf32>
    %get3A_4 = arith.constant 1 : index
    %get3A_5 = arith.constant 0 : index
    %get3A_6 = arith.constant 0 : index
    %get3A_7 = vector.load %arg1[%get3A_4, %get3A_5, %get3A_6] : memref<2x2000x64xf32, #tpu.memory_space<vmem>>, vector<1x2000x64xf32>
    %get3A_8 = vector.shape_cast %get3A_7 : vector<1x2000x64xf32> to vector<2000x64xf32>
    %concatenate3A = tpu.concatenate %get3A_3, %get3A_8 in 1 : vector<2000x64xf32>, vector<2000x64xf32> -> vector<2000x128xf32>
    %get3A_9 = arith.constant 0 : index
    %get3A_10 = arith.constant 0 : index
    %get3A_11 = arith.constant 0 : index
    %get3A_12 = vector.load %arg2[%get3A_9, %get3A_10, %get3A_11] : memref<2x2000x8xf32, #tpu.memory_space<vmem>>, vector<1x2000x8xf32>
    %get3A_13 = vector.shape_cast %get3A_12 : vector<1x2000x8xf32> to vector<2000x8xf32>
    %get3A_14 = arith.constant 1 : index
    %get3A_15 = arith.constant 0 : index
    %get3A_16 = arith.constant 0 : index
    %get3A_17 = vector.load %arg2[%get3A_14, %get3A_15, %get3A_16] : memref<2x2000x8xf32, #tpu.memory_space<vmem>>, vector<1x2000x8xf32>
    %get3A_18 = vector.shape_cast %get3A_17 : vector<1x2000x8xf32> to vector<2000x8xf32>
    %add3A = arith.addf %get3A_13, %get3A_18 : vector<2000x8xf32>
    %slice3A = vector.extract_strided_slice %add3A {offsets = [0, 0], sizes = [2000, 1], strides = [1, 1]} : vector<2000x8xf32> to vector<2000x1xf32>
    %max3A = arith.constant 1.000000e+00 : f32
    %max3A_19 = vector.broadcast %max3A : f32 to vector<2000x1xf32>
    %max3A_20 = arith.maximumf %slice3A, %max3A_19 : vector<2000x1xf32>
    %div3A = vector.broadcast %max3A_20 : vector<2000x1xf32> to vector<2000x128xf32>
    %div3A_21 = arith.divf %concatenate3A, %div3A : vector<2000x128xf32>
    %get3A_22 = arith.constant 0 : index
    %get3A_23 = arith.constant 0 : index
    %get3A_24 = vector.load %arg3[%get3A_22, %get3A_23] : memref<128x128xf32, #tpu.memory_space<vmem>>, vector<128x128xf32>
    %dot_general3A = arith.constant dense<0.000000e+00> : vector<2000x128xf32>
    %dot_general3A_25 = tpu.matmul %div3A_21, %get3A_24, %dot_general3A {dimension_numbers = #tpu.dot_dimension_numbers<[1], [0], [0], [1], [0, 0, 1, 1], [], []>, transpose_lhs_hint = false} : vector<2000x128xf32>, vector<128x128xf32>, vector<2000x128xf32> -> vector<2000x128xf32>
    %get3A_26 = arith.constant 0 : index
    %get3A_27 = arith.constant 0 : index
    %get3A_28 = vector.load %arg4[%get3A_26, %get3A_27] : memref<1x128xf32, #tpu.memory_space<vmem>>, vector<1x128xf32>
    %add3A_29 = vector.broadcast %get3A_28 : vector<1x128xf32> to vector<2000x128xf32>
    %add3A_30 = arith.addf %dot_general3A_25, %add3A_29 : vector<2000x128xf32>
    %max3A_31 = arith.constant 0.000000e+00 : f32
    %max3A_32 = vector.broadcast %max3A_31 : f32 to vector<2000x128xf32>
    %max3A_33 = arith.maximumf %add3A_30, %max3A_32 : vector<2000x128xf32>
    %reduce_sum3A = arith.constant dense<0.000000e+00> : vector<128xf32>
    %reduce_sum3A_34 = vector.multi_reduction <add>, %max3A_33, %reduce_sum3A [0] : vector<2000x128xf32> to vector<128xf32>
    %broadcast_in_dim3A = vector.shape_cast %reduce_sum3A_34 : vector<128xf32> to vector<1x128xf32>
    %eq3A = arith.constant 0 : i32
    %eq3A_35 = arith.cmpi eq, %arg0, %eq3A : i32
    %convert_element_type3A = arith.extui %eq3A_35 : i1 to i32
    %cond3A = arith.constant 0 : i32
    %cond3A_36 = arith.cmpi ne, %convert_element_type3A, %cond3A : i32
    scf.if %cond3A_36 {
      %swap3A = arith.constant 0 : index
      %swap3A_46 = arith.constant 0 : index
      %swap3A_47 = vector.load %arg14[%swap3A, %swap3A_46] : memref<1x128xf32, #tpu.memory_space<vmem>>, vector<1x128xf32>
      tpu.vector_store %arg14[%swap3A, %swap3A_46], %broadcast_in_dim3A {strides = array<i32>} : memref<1x128xf32, #tpu.memory_space<vmem>>, vector<1x128xf32>,
    } else {
    }
    %gt3A = arith.constant 0 : i32
    %gt3A_37 = arith.cmpi sgt, %arg0, %gt3A : i32
    %convert_element_type3A_38 = arith.extui %gt3A_37 : i1 to i32
    %cond3A_39 = arith.constant 0 : i32
    %cond3A_40 = arith.cmpi ne, %convert_element_type3A_38, %cond3A_39 : i32
    scf.if %cond3A_40 {
      %get3A_46 = arith.constant 0 : index
      %get3A_47 = arith.constant 0 : index
      %get3A_48 = vector.load %arg14[%get3A_46, %get3A_47] : memref<1x128xf32, #tpu.memory_space<vmem>>, vector<1x128xf32>
      %add3A_49 = arith.addf %get3A_48, %broadcast_in_dim3A : vector<1x128xf32>
      %swap3A = arith.constant 0 : index
      %swap3A_50 = arith.constant 0 : index
      %swap3A_51 = vector.load %arg14[%swap3A, %swap3A_50] : memref<1x128xf32, #tpu.memory_space<vmem>>, vector<1x128xf32>
      tpu.vector_store %arg14[%swap3A, %swap3A_50], %add3A_49 {strides = array<i32>} : memref<1x128xf32, #tpu.memory_space<vmem>>, vector<1x128xf32>,
    } else {
    }
    %eq3A_41 = arith.constant 4 : i32
    %eq3A_42 = arith.cmpi eq, %arg0, %eq3A_41 : i32
    %convert_element_type3A_43 = arith.extui %eq3A_42 : i1 to i32
    %cond3A_44 = arith.constant 0 : i32
    %cond3A_45 = arith.cmpi ne, %convert_element_type3A_43, %cond3A_44 : i32
    scf.if %cond3A_45 {
      %get3A_46 = arith.constant 0 : index
      %get3A_47 = arith.constant 0 : index
      %get3A_48 = vector.load %arg14[%get3A_46, %get3A_47] : memref<1x128xf32, #tpu.memory_space<vmem>>, vector<1x128xf32>
      %mul3A = arith.constant 9.99999974E-5 : f32
      %mul3A_49 = vector.broadcast %mul3A : f32 to vector<1x128xf32>
      %mul3A_50 = arith.mulf %get3A_48, %mul3A_49 : vector<1x128xf32>
      %get3A_51 = arith.constant 0 : index
      %get3A_52 = arith.constant 0 : index
      %get3A_53 = vector.load %arg5[%get3A_51, %get3A_52] : memref<128x256xf32, #tpu.memory_space<vmem>>, vector<128x256xf32>
      %dot_general3A_54 = arith.constant dense<0.000000e+00> : vector<1x256xf32>
      %dot_general3A_55 = tpu.matmul %mul3A_50, %get3A_53, %dot_general3A_54 {dimension_numbers = #tpu.dot_dimension_numbers<[1], [0], [0], [1], [0, 0, 1, 1], [], []>, transpose_lhs_hint = false} : vector<1x128xf32>, vector<128x256xf32>, vector<1x256xf32> -> vector<1x256xf32>
      %get3A_56 = arith.constant 0 : index
      %get3A_57 = arith.constant 0 : index
      %get3A_58 = vector.load %arg6[%get3A_56, %get3A_57] : memref<1x256xf32, #tpu.memory_space<vmem>>, vector<1x256xf32>
      %add3A_59 = arith.addf %dot_general3A_55, %get3A_58 : vector<1x256xf32>
      %max3A_60 = arith.constant 0.000000e+00 : f32
      %max3A_61 = vector.broadcast %max3A_60 : f32 to vector<1x256xf32>
      %max3A_62 = arith.maximumf %add3A_59, %max3A_61 : vector<1x256xf32>
      %get3A_63 = arith.constant 0 : index
      %get3A_64 = arith.constant 0 : index
      %get3A_65 = vector.load %arg7[%get3A_63, %get3A_64] : memref<256x64xf32, #tpu.memory_space<vmem>>, vector<256x64xf32>
      %dot_general3A_66 = arith.constant dense<0.000000e+00> : vector<1x64xf32>
      %dot_general3A_67 = tpu.matmul %max3A_62, %get3A_65, %dot_general3A_66 {dimension_numbers = #tpu.dot_dimension_numbers<[1], [0], [0], [1], [0, 0, 1, 1], [], []>, transpose_lhs_hint = false} : vector<1x256xf32>, vector<256x64xf32>, vector<1x64xf32> -> vector<1x64xf32>
      %get3A_68 = arith.constant 0 : index
      %get3A_69 = arith.constant 0 : index
      %get3A_70 = vector.load %arg8[%get3A_68, %get3A_69] : memref<1x64xf32, #tpu.memory_space<vmem>>, vector<1x64xf32>
      %add3A_71 = arith.addf %dot_general3A_67, %get3A_70 : vector<1x64xf32>
      %get3A_72 = arith.constant 0 : index
      %get3A_73 = arith.constant 0 : index
      %get3A_74 = vector.load %arg9[%get3A_72, %get3A_73] : memref<128x256xf32, #tpu.memory_space<vmem>>, vector<128x256xf32>
      %dot_general3A_75 = arith.constant dense<0.000000e+00> : vector<1x256xf32>
      %dot_general3A_76 = tpu.matmul %mul3A_50, %get3A_74, %dot_general3A_75 {dimension_numbers = #tpu.dot_dimension_numbers<[1], [0], [0], [1], [0, 0, 1, 1], [], []>, transpose_lhs_hint = false} : vector<1x128xf32>, vector<128x256xf32>, vector<1x256xf32> -> vector<1x256xf32>
      %get3A_77 = arith.constant 0 : index
      %get3A_78 = arith.constant 0 : index
      %get3A_79 = vector.load %arg10[%get3A_77, %get3A_78] : memref<1x256xf32, #tpu.memory_space<vmem>>, vector<1x256xf32>
      %add3A_80 = arith.addf %dot_general3A_76, %get3A_79 : vector<1x256xf32>
      %max3A_81 = arith.constant 0.000000e+00 : f32
      %max3A_82 = vector.broadcast %max3A_81 : f32 to vector<1x256xf32>
      %max3A_83 = arith.maximumf %add3A_80, %max3A_82 : vector<1x256xf32>
      %get3A_84 = arith.constant 0 : index
      %get3A_85 = arith.constant 0 : index
      %get3A_86 = vector.load %arg11[%get3A_84, %get3A_85] : memref<256x1xf32, #tpu.memory_space<vmem>>, vector<256x1xf32>
      %dot_general3A_87 = arith.constant dense<0.000000e+00> : vector<1x1xf32>
      %dot_general3A_88 = tpu.matmul %max3A_83, %get3A_86, %dot_general3A_87 {dimension_numbers = #tpu.dot_dimension_numbers<[1], [0], [0], [1], [0, 0, 1, 1], [], []>, transpose_lhs_hint = false} : vector<1x256xf32>, vector<256x1xf32>, vector<1x1xf32> -> vector<1x1xf32>
      %get3A_89 = arith.constant 0 : index
      %get3A_90 = arith.constant 0 : index
      %get3A_91 = vector.load %arg12[%get3A_89, %get3A_90] : memref<1x1xf32, #tpu.memory_space<vmem>>, vector<1x1xf32>
      %add3A_92 = arith.addf %dot_general3A_88, %get3A_91 : vector<1x1xf32>
      %add3A_93 = vector.broadcast %add3A_92 : vector<1x1xf32> to vector<1x64xf32>
      %add3A_94 = arith.addf %add3A_93, %add3A_71 : vector<1x64xf32>
      %reduce_sum3A_95 = vector.shape_cast %add3A_71 : vector<1x64xf32> to vector<1x1x64xf32>
      %reduce_sum3A_96 = arith.constant dense<0.000000e+00> : vector<1xf32>
      %reduce_sum3A_97 = vector.multi_reduction <add>, %reduce_sum3A_95, %reduce_sum3A_96 [1, 2] : vector<1x1x64xf32> to vector<1xf32>
      %reduce_sum3A_98 = vector.shape_cast %reduce_sum3A_97 : vector<1xf32> to vector<1x1x1xf32>
      %reduce_sum3A_99 = vector.extract %reduce_sum3A_98[0, 0, 0] : f32 from vector<1x1x1xf32>
      %div3A_100 = arith.constant 6.400000e+01 : f32
      %div3A_101 = arith.divf %reduce_sum3A_99, %div3A_100 : f32
      %sub3A = vector.broadcast %div3A_101 : f32 to vector<1x64xf32>
      %sub3A_102 = arith.subf %add3A_94, %sub3A : vector<1x64xf32>
      %swap3A = arith.constant 0 : index
      %swap3A_103 = arith.constant 0 : index
      %swap3A_104 = vector.load %arg13[%swap3A, %swap3A_103] : memref<1x64xf32, #tpu.memory_space<vmem>>, vector<1x64xf32>
      tpu.vector_store %arg13[%swap3A, %swap3A_103], %sub3A_102 {strides = array<i32>} : memref<1x64xf32, #tpu.memory_space<vmem>>, vector<1x64xf32>,
    } else {
    }
    return
  }
  func.func @transform_0(%arg0: i32) -> (i32, i32, i32) {
    %c0_i32 = arith.constant 0 : i32
    %c0_i32_0 = arith.constant 0 : i32
    %c0_i32_1 = arith.constant 0 : i32
    return %c0_i32, %arg0, %c0_i32_0 : i32, i32, i32
  }
  func.func @transform_1(%arg0: i32) -> (i32, i32, i32) {
    %c0_i32 = arith.constant 0 : i32
    %c0_i32_0 = arith.constant 0 : i32
    %c0_i32_1 = arith.constant 0 : i32
    return %c0_i32, %arg0, %c0_i32_0 : i32, i32, i32
  }
  func.func @transform_2(%arg0: i32) -> (i32, i32) {
    %c0_i32 = arith.constant 0 : i32
    %c0_i32_0 = arith.constant 0 : i32
    %c0_i32_1 = arith.constant 0 : i32
    return %c0_i32, %c0_i32_0 : i32, i32
  }
  func.func @transform_3(%arg0: i32) -> (i32, i32) {
    %c0_i32 = arith.constant 0 : i32
    %c0_i32_0 = arith.constant 0 : i32
    %c0_i32_1 = arith.constant 0 : i32
    return %c0_i32, %c0_i32_0 : i32, i32
  }
  func.func @transform_4(%arg0: i32) -> (i32, i32) {
    %c0_i32 = arith.constant 0 : i32
    %c0_i32_0 = arith.constant 0 : i32
    %c0_i32_1 = arith.constant 0 : i32
    return %c0_i32, %c0_i32_0 : i32, i32
  }
  func.func @transform_5(%arg0: i32) -> (i32, i32) {
    %c0_i32 = arith.constant 0 : i32
    %c0_i32_0 = arith.constant 0 : i32
    %c0_i32_1 = arith.constant 0 : i32
    return %c0_i32, %c0_i32_0 : i32, i32
  }
  func.func @transform_6(%arg0: i32) -> (i32, i32) {
    %c0_i32 = arith.constant 0 : i32
    %c0_i32_0 = arith.constant 0 : i32
    %c0_i32_1 = arith.constant 0 : i32
    return %c0_i32, %c0_i32_0 : i32, i32
  }
  func.func @transform_7(%arg0: i32) -> (i32, i32) {
    %c0_i32 = arith.constant 0 : i32
    %c0_i32_0 = arith.constant 0 : i32
    %c0_i32_1 = arith.constant 0 : i32
    return %c0_i32, %c0_i32_0 : i32, i32
  }
  func.func @transform_8(%arg0: i32) -> (i32, i32) {
    %c0_i32 = arith.constant 0 : i32
    %c0_i32_0 = arith.constant 0 : i32
    %c0_i32_1 = arith.constant 0 : i32
    return %c0_i32, %c0_i32_0 : i32, i32
  }
  func.func @transform_9(%arg0: i32) -> (i32, i32) {
    %c0_i32 = arith.constant 0 : i32
    %c0_i32_0 = arith.constant 0 : i32
    %c0_i32_1 = arith.constant 0 : i32
    return %c0_i32, %c0_i32_0 : i32, i32
  }
  func.func @transform_10(%arg0: i32) -> (i32, i32) {
    %c0_i32 = arith.constant 0 : i32
    %c0_i32_0 = arith.constant 0 : i32
    %c0_i32_1 = arith.constant 0 : i32
    return %c0_i32, %c0_i32_0 : i32, i32
  }
  func.func @transform_11(%arg0: i32) -> (i32, i32) {
    %c0_i32 = arith.constant 0 : i32
    %c0_i32_0 = arith.constant 0 : i32
    %c0_i32_1 = arith.constant 0 : i32
    return %c0_i32, %c0_i32_0 : i32, i32
  }
  func.func @transform_12(%arg0: i32) -> (i32, i32) {
    %c0_i32 = arith.constant 0 : i32
    %c0_i32_0 = arith.constant 0 : i32
    %c0_i32_1 = arith.constant 0 : i32
    return %c0_i32, %c0_i32_0 : i32, i32
  }
}

</mosaic_0001>

<sc_bundles>
// kernel: kernel.6.cloned.1.call-start
scs
__scs_entry_jumppad:
0x0: {  	(pc) =	sbr.rel $0x88, $3  }
0x1: {  	(tag) =	ssettag $0x0;
	lr =	simm.s32 $0x1  }
0x2: {  	[smem:$0x3F93] =	sst lr;
	_ =	strace $0xD0000000  }
0x3: {  	_ = 	snop  }
0x4: {  	_ = 	snop  }
0x5: {  	_ = 	snop  }
0x6: {  	_ = 	snop  }
0x7: {  	_ = 	snop  }
__scs_overlays_trampoline_lowered:
0x8: {  	[smem:$0x3FA2] =	sst s0  }
0x9: {  	[smem:$0x3FA3] =	sst s1  }
0xa: {  	[smem:$0x3FA4] =	sst s2  }
0xb: {  	[smem:$0x3FA5] =	sst s3  }
0xc: {  	[smem:$0x3FA6] =	sst s4  }
0xd: {  	[smem:$0x3FA7] =	sst s5  }
0xe: {  	[smem:$0x3FA8] =	sst s6  }
0xf: {  	[smem:$0x3FA9] =	sst s7  }
0x10: {  	[smem:$0x3FAA] =	sst s8  }
0x11: {  	[smem:$0x3FAB] =	sst s9;
	s0 =	simm.s32 @!p0 $0x0  }
0x12: {  	s1 =	sld [smem:$0x3F91];
	s0 =	simm.s32 @p0 $0x1  }
0x13: {  	[smem:$0x3FAC] =	sst s0;
	s0 =	simm.s32 @!p1 $0x0  }
0x14: {  	s2 =	sld [smem:$0x3F90];
	s0 =	simm.s32 @p1 $0x1  }
0x15: {  	[smem:$0x3FAD] =	sst s0;
	s0 =	simm.s32 @!p2 $0x0  }
0x16: {  	s3 =	sld [smem:$0x3FDB];
	s0 =	simm.s32 @p2 $0x1  }
0x17: {  	s4 =	simm.s32 $0x1BF5;
	[smem:$0x3FAF] =	sst s0  }
0x18: {  	s0 =	sld [smem:$0x3F92];
	_ =	swait.ge [sflag:s4], $0x0  }
0x19: {  	s7 =	sld [smem:$0x3F93]  }
0x1a: {  	s8 =	sadd.s32 $0xFFFFE003, lr  }
0x1b: {  	s9 =	sadd.s32 $0xFFFFFEF7, lr;
	s5 =	simm.s32 $0xFFFFFFFF;
	p2 =	slt.u32 s8, $0xFFFFF086  }
0x1c: {  	p1 =	slt.u32 s9, $0xF7A;
	s5 =	simm.s32 @!p2 $0x0  }
0x1d: {  	s5 =	simm.s32 @p1 $0x1;
	p0 =	seq.s32 s7, s2  }
0x1e: {  	s7 =	smul.u32 @!p0 $0xF7A, s2;
	p2 =	seq.s32 @!p0 s5, $0x0  }
0x1f: {  	s9 =	smul.u32 $0xF7A, s1;
	s8 =	simm.s32 @!p0 $0x1BF5;
	p2 =	por !p2, p0  }
0x20: {  	[sflag:s8] =	ssyncset.s32 @!p0 $0xFFFFF086;
	s6 =	sadd.s32 @!p0 s3, s7;
	s7 =	simm.s32 @!p0 $0x108  }
0x21: {  	s3 =	sadd.s32 s3, s9;
	s6 =	sadd.s32 @!p0 $0x88, s6;
	s7 =	simm.s32 @p2 $0x1082  }
0x22: {  	[simem:s7], [sflag:s8] =	dma.local @!p0 [hbm:s6], $0xF7A  }
0x23: {  	s9 =	sor.u32 $0xD0000000, s2;
	s6 =	simm.s32 $0x108;
	_ =	swait.ge @!p0 [sflag:s8], $0x0  }
0x24: {  	s3 =	sadd.s32 $0x88, s3;
	s6 =	simm.s32 @!p1 $0x1082;
	[sflag:s4] =	ssyncset.s32 $0xFFFFF086  }
0x25: {  	[simem:s6], [sflag:s4] =	dma.local [hbm:s3], $0xF7A  }
0x26: {  	[smem:$0x3F93] =	sst s1;
	(tag) =	ssettag s2;
	_ =	strace s9  }
0x27: {  	s1 =	sld [smem:$0x3FA3]  }
0x28: {  	s2 =	sld [smem:$0x3FA4]  }
0x29: {  	s4 =	sld [smem:$0x3FA6]  }
0x2a: {  	p0 =	seq.s32 s5, $0x0;
	s5 =	sld [smem:$0x3FA7]  }
0x2b: {  	s6 =	sld [smem:$0x3FA8]  }
0x2c: {  	s7 =	sld [smem:$0x3FA9]  }
0x2d: {  	s3 =	simm.s32 $0x108;
	s8 =	sld [smem:$0x3FAA]  }
0x2e: {  	s3 =	simm.s32 @!p0 $0x1082;
	s9 =	sld [smem:$0x3FAB]  }
0x2f: {  	lr =	sadd.s32 s0, s3;
	s0 =	sld [smem:$0x3FA2]  }
0x30: {  	s3 =	sld [smem:$0x3FA5]  }
0x31: {  	[smem:$0x3FAE] =	sst s10  }
0x32: {  	s10 =	sld [smem:$0x3FAC];
	_ =	sdelay $0x3  }
0x33: {  	p0 =	seq.s32 s10, $0x1;
	s10 =	sld [smem:$0x3FAE];
	_ =	sdelay $0x3  }
0x34: {  	[smem:$0x3FAE] =	sst s10  }
0x35: {  	s10 =	sld [smem:$0x3FAD];
	_ =	sdelay $0x3  }
0x36: {  	p1 =	seq.s32 s10, $0x1;
	s10 =	sld [smem:$0x3FAE];
	_ =	sdelay $0x3  }
0x37: {  	[smem:$0x3FAE] =	sst s10  }
0x38: {  	s10 =	sld [smem:$0x3FAF]  }
0x39: {  	_ = 	snop;
	(pc) =	sbr.ind lr, $3  }
0x3a: {  	_ = 	snop  }
0x3b: {  	_ = 	snop  }
0x3c: {  	p2 =	seq.s32 s10, $0x1;
	s10 =	sld [smem:$0x3FAE]  }
0x3d: {  	_ =	shalt  }
0x3e: {  	_ =	shalt  }
0x3f: {  	_ =	shalt  }
0x40: {  	_ =	shalt  }
0x41: {  	_ =	shalt  }
0x42: {  	_ =	shalt  }
0x43: {  	_ =	shalt  }
0x44: {  	_ =	shalt  }
0x45: {  	_ =	shalt  }
0x46: {  	_ =	shalt  }
0x47: {  	_ =	shalt  }
0x48: {  	_ =	shalt  }
0x49: {  	_ =	shalt  }
0x4a: {  	_ =	shalt  }
0x4b: {  	_ =	shalt  }
0x4c: {  	_ =	shalt  }
0x4d: {  	_ =	shalt  }
0x4e: {  	_ =	shalt  }
0x4f: {  	_ =	shalt  }
0x50: {  	_ =	shalt  }
0x51: {  	_ =	shalt  }
0x52: {  	_ =	shalt  }
0x53: {  	_ =	shalt  }
0x54: {  	_ =	shalt  }
0x55: {  	_ =	shalt  }
0x56: {  	_ =	shalt  }
0x57: {  	_ =	shalt  }
0x58: {  	_ =	shalt  }
0x59: {  	_ =	shalt  }
0x5a: {  	_ =	shalt  }
0x5b: {  	_ =	shalt  }
0x5c: {  	_ =	shalt  }
0x5d: {  	_ =	shalt  }
0x5e: {  	_ =	shalt  }
0x5f: {  	_ =	shalt  }
0x60: {  	_ =	shalt  }
0x61: {  	_ =	shalt  }
0x62: {  	_ =	shalt  }
0x63: {  	_ =	shalt  }
0x64: {  	_ =	shalt  }
0x65: {  	_ =	shalt  }
0x66: {  	_ =	shalt  }
0x67: {  	_ =	shalt  }
0x68: {  	_ =	shalt  }
0x69: {  	_ =	shalt  }
0x6a: {  	_ =	shalt  }
0x6b: {  	_ =	shalt  }
0x6c: {  	_ =	shalt  }
0x6d: {  	_ =	shalt  }
0x6e: {  	_ =	shalt  }
0x6f: {  	_ =	shalt  }
0x70: {  	_ =	shalt  }
0x71: {  	_ =	shalt  }
0x72: {  	_ =	shalt  }
0x73: {  	_ =	shalt  }
0x74: {  	_ =	shalt  }
0x75: {  	_ =	shalt  }
0x76: {  	_ =	shalt  }
0x77: {  	_ =	shalt  }
0x78: {  	_ =	shalt  }
0x79: {  	_ =	shalt  }
0x7a: {  	_ =	shalt  }
0x7b: {  	_ =	shalt  }
0x7c: {  	_ =	shalt  }
0x7d: {  	_ =	shalt  }
0x7e: {  	_ =	shalt  }
0x7f: {  	_ =	shalt  }
0x80: {  	_ =	shalt  }
0x81: {  	_ =	shalt  }
0x82: {  	_ =	shalt  }
0x83: {  	_ =	shalt  }
0x84: {  	_ =	shalt  }
0x85: {  	_ =	shalt  }
0x86: {  	_ =	shalt  }
0x87: {  	_ =	shalt  }
.Lfunc_end0:
.L_simem_size_0:
called_computation_lowered:
.L_overlay_start_0:
0x88: {  	s2 =	sld [smem:$0x3FD9]  }
0x89: {  	s3 =	sld [smem:$0x3FFE];
	_ =	sdelay $0x1  }
0x8a: {  	s1 =	srdreg.scid  }
0x8b: {  	s0 =	sand.u32 $0x1, s1  }
0x8c: {  	s16 =	sshll.u32 s0, $0xA;
	s2 =	sadd.s32 s3, s2  }
0x8d: {  	s2 =	sadd.s32 s2, s16  }
0x8e: {  	[smem:$0x3FBA] =	sst s2  }
0x8f: {  	_ = 	snop  }
0x90: {  	(tm) =	ssettm $0x1  }
0x91: {  	s17 =	sld [smem:$0x3FFB];
	_ =	sdelay $0x3  }
0x92: {  	_ =	strace s17  }
0x93: {  	s2 =	sld [smem:$0x3FFC];
	_ =	sdelay $0x3  }
0x94: {  	_ =	strace s2  }
0x95: {  	s2 =	sld [smem:$0x3FFD];
	_ =	sdelay $0x3  }
0x96: {  	_ =	strace s2  }
0x97: {  	_ =	strace $0x8FFFFFFF  }
0x98: {  	s18 =	sld [smem:$0x3FDB];
	_ =	sdelay $0x1  }
0x99: {  	s19 =	simm.s32 $_scs_section_size  }
0x9a: {  	s4 =	simm.s32 $_size__tile_overlayer_lowered;
	s5 =	simm.s32 $_tile_overlayer_lowered  }
0x9b: {  	s22 =	simm.s32 $0x1BFF;
	s21 =	sshll.u32 s5, $0x1;
	s2 =	sadd.s32 s19, s18  }
0x9c: {  	s6 =	simm.s32 $0x0;
	s20 =	sshll.u32 s4, $0x1;
	s4 =	sadd.s32 s21, s2  }
0x9d: {  	[timem:s6], [sflag:s22] =	dma.local [hbm:s4], s20  }
0x9e: {  	_ =	swait.ge [sflag:s22], s20  }
0x9f: {  	s3 =	ssub.s32 $0x0, s20;
	[sflag:s22] =	ssyncset.done $0x0  }
0xa0: {  	[sflag:s22] =	ssyncadd.s32 s3;
	_ =	sdelay $0x1  }
0xa1: {  	s23 =	simm.s32 $0x1B8B  }
0xa2: {  	_ =	swait.ge [sflag:s23], $0x1  }
0xa3: {  	[sflag:s23] =	ssyncset.done $0x0  }
0xa4: {  	s25 =	simm.s32 $0x1B8E;
	s24 =	sld [smem:$0x3FFE];
	[sflag:s23] =	ssyncadd.s32 $0xFFFFFFFF  }
0xa5: {  	s26 =	simm.s32 $execute0_lowered;
	[smem:$0x3FD2] =	sst s25  }
0xa6: {  	s4 =	sshll.u32 s26, $0x1;
	_ =	strace $0x80000046;
	[dreg:$0x1] =	wrdreg $0xFFFFFFFF  }
0xa7: {  	s28 =	simm.s32 $_size_execute0_lowered;
	s2 =	sadd.s32 s2, s4;
	[dreg:$0x0] =	wrdreg $0x0  }
0xa8: {  	s4 =	sshll.u32 s28, $0x1;
	[dreg:$0x2] =	wrdreg s2  }
0xa9: {  	[dreg:$0x3] =	wrdreg s4  }
0xaa: {  	[dreg:$0x4] =	wrdreg $0xC0  }
0xab: {  	_ =	task [dreg:s6], $0x5FFFF  }
0xac: {  	[dreg:$0x1] =	wrdreg $0xFFFFFFFF  }
0xad: {  	[dreg:$0x0] =	wrdreg $0x60  }
0xae: {  	[dreg:$0x2] =	wrdreg s24  }
0xaf: {  	[dreg:$0x3] =	wrdreg $0x144000  }
0xb0: {  	[dreg:$0x4] =	wrdreg $0x1E2000  }
0xb1: {  	[dreg:$0x5] =	wrdreg $0x9  }
0xb2: {  	_ =	task.clear_ibuf [dreg:s6], $0x6FFFF;
	_ =	strace $0x90000046  }
0xb3: {  	s29 =	simm.s32 $0x9;
	_ =	strace $0x80000048  }
0xb4: {  	_ =	swait.ge [sflag:s29], $0x1  }
0xb5: {  	[sflag:s29] =	ssyncadd.s32 $0xFFFFFFFF  }
0xb6: {  	_ =	strace $0x90000048  }
0xb7: {  	_ =	sfence  }
0xb8: {  	s30 =	sld [smem:$0x0];
	_ =	sdelay $0x2  }
0xb9: {  	s31 =	sshll.u32 s1, $0xD;
	s1 =	sshrl.u32 s1, $0x2  }
0xba: {  	s3 =	sand.u32 $0x4000, s31;
	s1 =	sadd.s32 s1, s30  }
0xbb: {  	s0 =	sor.u32 s3, s0;
	s1 =	sshll.u32 s1, $0x11  }
0xbc: {  	s0 =	sor.u32 s1, s0  }
0xbd: {  	s0 =	sadd.s32 $0x8F2B, s0  }
0xbe: {  	[sflag:s0] =	ssyncadd.remote.s32 $0x1  }
0xbf: {  	_ =	sfence.sel $0xFFFF  }
0xc0: {  	[dreg:$0x0] =	wrdreg $0xFFFFFFFF;
	(pc) =	sbr.abs _section_cstart, $3  }
0xc1: {  	[dreg:$0x1] =	wrdreg $0xFFFFFFFF  }
0xc2: {  	_ =	task.clear_ibuf [dreg:s6], $0x2FFFF;
	_ =	strace $0x9FFFFFFF  }
0xc3: {  	(tm) =	ssettm $0x7FFFFFFF  }
tec
execute0_lowered:
.L_overlay_start_1:
0x0: {  	(tag) =	ssettag $0x1  }
0x1: {  	s0 =	rddreg [dreg:$0x0]  }
0x2: {  	s2 =	rddreg [dreg:$0x1]  }
0x3: {  	s3 =	rddreg [dreg:$0x2]  }
0x4: {  	s1 =	srdreg.scid;
	s18 =	stileid.u32  }
0x5: {  	s4 =	simm.s32 $0x0;
	s29 =	simm.s32 $0x10000;
	s6 =	smul.u32 $0x5000, s18  }
0x6: {  	s31 =	simm.s32 $0x12000;
	s28 =	simm.s32 $0x0;
	s8 =	smul.u32 $0x9E00, s18  }
0x7: {  	s1 =	sand.u32 $0x1, s1;
	[smem:$0x7FF] =	sst s4;
	s9 =	smul.u32 $0x13C0, s18  }
0x8: {  	s5 =	sadd.s32 $0x2C00, s0;
	s14 =	sadd.s32 $0x5E200, s0;
	s7 =	smul.u32 $0x50000, s1  }
0x9: {  	s22 =	sshll.u32 s18, $0x6;
	s18 =	simm.s32 $0x6;
	s10 =	smul.u32 $0x9E000, s1  }
0xa: {  	_ =	strace $0x80000047;
	s13 =	smul.u32 $0x13C00, s1;
	[dreg:$0x4] =	wrdreg s14  }
0xb: {  	s20 =	ssub.s32 $0x2, s1;
	s11 =	sshrl.u32 s8, $0x3;
	s12 =	sshrl.u32 s9, $0x3  }
0xc: {  	s15 =	sshrl.u32 s20, $0x1;
	s17 =	sadd.s32 s8, s2;
	s23 =	sadd.s32 s9, s3  }
0xd: {  	s7 =	sadd.s32 s6, s7;
	s6 =	sshrl.u32 s6, $0x3;
	s11 =	sadd.s32 s11, s0  }
0xe: {  	s12 =	sadd.s32 s12, s0;
	s10 =	sadd.s32 s8, s10;
	s13 =	sadd.s32 s9, s13  }
0xf: {  	s16 =	ssub.s32 s20, s15;
	s8 =	sor.u32 $0x1C06, s22;
	s9 =	smul.u32 $0x50, s1  }
0x10: {  	s17 =	sshrl.u32 s17, $0x3;
	s19 =	sshrl.u32 s23, $0x3;
	s22 =	simm.s32 $0x80  }
0x11: {  	s23 =	simm.s32 $0xA000;
	s1 =	simm.s32 $0x2;
	s20 =	simm.s32 $0x3  }
0x12: {  	s7 =	sshrl.u32 s7, $0x3;
	s6 =	sadd.s32 s6, s0;
	s10 =	sshrl.u32 s10, $0x3  }
0x13: {  	s13 =	sshrl.u32 s13, $0x3;
	s21 =	sadd.s32 $0x47E00, s11;
	s24 =	sadd.s32 $0x5BA00, s12  }
0x14: {  	s16 =	smax.u32 s16, $0x1;
	s7 =	sadd.s32 s7, s0;
	[dreg:$0x5] =	wrdreg s21  }
0x15: {  	s10 =	sadd.s32 s10, s0;
	s0 =	sadd.s32 s13, s0;
	[dreg:$0x6] =	wrdreg s24  }
.Ltmp0:
0x16: {  	s26 =	sadd.s32 $0x3DE00, s6;
	s13 =	sadd.s32 $0x50, s9;
	(pc) =	sbr.rel .LBB2_1-.Ltmp0, $4  }
0x17: {  	s24 =	simm.s32 $0xC000;
	s25 =	sadd.s32 $0x29E00, s7;
	[dreg:$0x8] =	wrdreg s26  }
0x18: {  	s21 =	simm.s32 $0x4;
	s30 =	sadd.s32 $0x63400, s10;
	[dreg:$0x7] =	wrdreg s25  }
0x19: {  	s0 =	sadd.s32 $0x5E400, s0;
	s26 =	simm.s32 $0xE000;
	[dreg:$0x9] =	wrdreg s30  }
0x1a: {  	[dreg:$0xa] =	wrdreg s0;
	s0 =	simm.s32 $0x1;
	s25 =	simm.s32 $0x5  }
.LBB2_4:
0x1b: {  	[bflag:$0x0] =	sbarrier.arrive $0xFFFF  }
0x1c: {  	s6 =	rddreg [dreg:$0x9]  }
0x1d: {  	[hbm:s6], [sflag:s8] =	dma.local [spmem:s17], $0x13C0  }
0x1e: {  	s28 =	sadd.s32 $0x1, s28;
	_ =	swait.ge [sflag:s18], $0x13C0  }
0x1f: {  	p0 =	sne.s32 s28, s16;
	[sflag:s18] =	ssyncset.done $0x0  }
.Ltmp1:
0x20: {  	s30 =	rddreg [dreg:$0xa];
	[sflag:s18] =	ssyncadd.s32 $0xFFFFEC40;
	(pc) =	sbr.rel @!p0 .LBB2_5-.Ltmp1, $4  }
0x21: {  	[hbm:s30], [sflag:s8] =	dma.local [spmem:s19], $0x278  }
0x22: {  	_ =	swait.ge [sflag:s18], $0x278  }
0x23: {  	[sflag:s18] =	ssyncset.done $0x0  }
0x24: {  	[sflag:s18] =	ssyncadd.s32 $0xFFFFFD88  }
.LBB2_1:
0x25: {  	s6 =	rddreg [dreg:$0x5]  }
0x26: {  	[spmem:s17], [sflag:s8] =	dma.local [hbm:s6], $0x13C0  }
0x27: {  	_ =	swait.ge [sflag:s18], $0x13C0  }
0x28: {  	[sflag:s18] =	ssyncset.done $0x0  }
0x29: {  	s14 =	rddreg [dreg:$0x6];
	[sflag:s18] =	ssyncadd.s32 $0xFFFFEC40  }
0x2a: {  	[spmem:s19], [sflag:s8] =	dma.local [hbm:s14], $0x278  }
0x2b: {  	_ =	swait.ge [sflag:s18], $0x278  }
0x2c: {  	[sflag:s18] =	ssyncset.done $0x0  }
0x2d: {  	s7 =	simm.s32 $0x14000;
	s15 =	rddreg [dreg:$0x4];
	[sflag:s18] =	ssyncadd.s32 $0xFFFFFD88  }
0x2e: {  	[tilespmem:s7], [sflag:$0x6] =	stream.linear.gather [hbm4b:s15+s4], $0x400, $0x38;
	[tilespmem:$0x1F5C0] =	vst v63  }
0x2f: {  	_ =	swait.ge [sflag:s18], $0x400  }
0x30: {  	[sflag:s18] =	ssyncset.done $0x0  }
0x31: {  	s7 =	rddreg [dreg:$0x7];
	[sflag:s18] =	ssyncadd.s32 $0xFFFFFC00  }
0x32: {  	[tilespmem:s4], [sflag:$0x6] =	stream.linear.gather [hbm4b:s7+s4], $0x5000, $0x38;
	[tilespmem:$0x1F5C0] =	vst v63  }
0x33: {  	_ =	swait.ge [sflag:s18], $0x5000  }
0x34: {  	[sflag:s18] =	ssyncset.done $0x0  }
0x35: {  	s11 =	simm.s32 $0x5000;
	s10 =	rddreg [dreg:$0x8];
	[sflag:s18] =	ssyncadd.s32 $0xFFFFB000  }
0x36: {  	[tilespmem:s11], [sflag:$0x6] =	stream.linear.gather [hbm4b:s10+s4], $0x5000, $0x38;
	[tilespmem:$0x1F5C0] =	vst v63  }
0x37: {  	_ =	swait.ge [sflag:s18], $0x5000  }
0x38: {  	[sflag:s18] =	ssyncset.done $0x0  }
0x39: {  	[sflag:s18] =	ssyncadd.s32 $0xFFFFB000  }
0x3a: {  	[bflag:$0x0] =	sbarrier.arrive $0xFFFF  }
0x3b: {  	[tilespmem:s23], [sflag:$0x1] =	stream.indirect.gather [hbm4b:s5+s22], $0x40, s4, s22, $0xb8;
	[tilespmem:$0x1F5C0] =	vst v63  }
0x3c: {  	_ = 	snop  }
0x3d: {  	[tilespmem:s24], [sflag:$0x2] =	stream.indirect.gather [hbm4b:s5+s22], $0x40, s22, s22, $0xb8;
	[tilespmem:$0x1F5C0] =	vst v63  }
0x3e: {  	s12 =	simm.s32 $0x100  }
0x3f: {  	[tilespmem:s26], [sflag:$0x3] =	stream.indirect.gather [hbm4b:s5+s22], $0x40, s12, s22, $0xb8;
	[tilespmem:$0x1F5C0] =	vst v63  }
0x40: {  	s14 =	simm.s32 $0x180  }
0x41: {  	[tilespmem:s29], [sflag:$0x4] =	stream.indirect.gather [hbm4b:s5+s22], $0x40, s14, s22, $0xb8;
	[tilespmem:$0x1F5C0] =	vst v63  }
0x42: {  	s30 =	simm.s32 $0x4;
	s6 =	simm.s32 $0x0;
	s15 =	simm.s32 $0x200  }
0x43: {  	[tilespmem:s31], [sflag:$0x5] =	stream.indirect.gather [hbm4b:s5+s22], $0x40, s15, s22, $0xb8;
	[tilespmem:$0x1F5C0] =	vst v63  }
.LBB2_2:
0x44: {  	_ =	swait.ge [sflag:s0], $0x2000  }
0x45: {  	s7 =	sshra.s32 s6, $0x2;
	s10 =	sadd.s32 $0xFFFFFFFC, s30;
	[sflag:s0] =	ssyncset.done $0x0  }
0x46: {  	s11 =	sadd.s32 $0x5000, s7;
	p0 =	slt.u32 s10, s9;
	[sflag:s0] =	ssyncadd.s32 $0xFFFFE000  }
0x47: {  	[spmem:s2] =	stream.indirect.scatter.add.f32 [tilespmem:s23], [sflag:$0x6], $0x40, s11, s22, $0xb8;
	[tilespmem:$0x1F5C0] =	vst v63  }
0x48: {  	p1 =	sge.u32 @!p0 s10, s13;
	_ =	swait.ge [sflag:s18], $0x2000  }
0x49: {  	p1 =	por p1, p0;
	[sflag:s18] =	ssyncset.done $0x0  }
0x4a: {  	s10 =	simm.s32 @!p1 $0x80;
	s12 =	simm.s32 @!p1 $0x14000;
	[sflag:s18] =	ssyncadd.s32 $0xFFFFE000  }
0x4b: {  	[spmem:s3] =	stream.indirect.scatter.add.f32 @!p1 [tilespmem:s12], [sflag:$0x6], $0x8, s11, s10, $0xb8;
	[tilespmem:$0x1F5C0] =	vst v63  }
0x4c: {  	s10 =	simm.s32 @!p1 $0x6  }
0x4d: {  	_ =	swait.ge @!p1 [sflag:s10], $0x400  }
0x4e: {  	p0 =	seq.s32 s6, $0x13600;
	[sflag:s10] =	ssyncset.done @!p1 $0x0  }
0x4f: {  	[sflag:s10] =	ssyncadd.s32 @!p1 $0xFFFFFC00;
	s10 =	sshra.s32 @!p0 s6, $0x2  }
0x50: {  	s14 =	simm.s32 @!p0 $0xA000;
	s11 =	simm.s32 @!p0 $0x80;
	s12 =	sadd.s32 @!p0 $0x280, s10  }
0x51: {  	[tilespmem:s14], [sflag:$0x1] =	stream.indirect.gather @!p0 [hbm4b:s5+s11], $0x40, s12, s11, $0xb8;
	[tilespmem:$0x1F5C0] =	vst v63  }
0x52: {  	_ =	swait.ge [sflag:s1], $0x2000  }
0x53: {  	s12 =	sadd.s32 $0xFFFFFFFD, s30;
	[sflag:s1] =	ssyncset.done $0x0  }
0x54: {  	s14 =	sadd.s32 $0x5080, s7;
	p1 =	slt.u32 s12, s9;
	[sflag:s1] =	ssyncadd.s32 $0xFFFFE000  }
0x55: {  	[spmem:s2] =	stream.indirect.scatter.add.f32 [tilespmem:s24], [sflag:$0x6], $0x40, s14, s22, $0xb8;
	[tilespmem:$0x1F5C0] =	vst v63  }
0x56: {  	p2 =	sge.u32 @!p1 s12, s13;
	_ =	swait.ge [sflag:s18], $0x2000  }
0x57: {  	p1 =	por p2, p1;
	[sflag:s18] =	ssyncset.done $0x0  }
0x58: {  	s12 =	simm.s32 @!p1 $0x80;
	s15 =	simm.s32 @!p1 $0x14000;
	[sflag:s18] =	ssyncadd.s32 $0xFFFFE000  }
0x59: {  	[spmem:s3] =	stream.indirect.scatter.add.f32 @!p1 [tilespmem:s15], [sflag:$0x6], $0x8, s14, s12, $0xb8;
	[tilespmem:$0x1F5C0] =	vst v63  }
0x5a: {  	s12 =	simm.s32 @!p1 $0x6  }
0x5b: {  	_ =	swait.ge @!p1 [sflag:s12], $0x400  }
0x5c: {  	[sflag:s12] =	ssyncset.done @!p1 $0x0  }
0x5d: {  	s14 =	simm.s32 @!p0 $0xC000;
	[sflag:s12] =	ssyncadd.s32 @!p1 $0xFFFFFC00;
	s12 =	sadd.s32 @!p0 $0x300, s10  }
0x5e: {  	[tilespmem:s14], [sflag:$0x2] =	stream.indirect.gather @!p0 [hbm4b:s5+s11], $0x40, s12, s11, $0xb8;
	[tilespmem:$0x1F5C0] =	vst v63  }
0x5f: {  	_ =	swait.ge [sflag:s20], $0x2000  }
0x60: {  	s12 =	sadd.s32 $0xFFFFFFFE, s30;
	[sflag:s20] =	ssyncset.done $0x0  }
0x61: {  	s14 =	sadd.s32 $0x5100, s7;
	p1 =	slt.u32 s12, s9;
	[sflag:s20] =	ssyncadd.s32 $0xFFFFE000  }
0x62: {  	[spmem:s2] =	stream.indirect.scatter.add.f32 [tilespmem:s26], [sflag:$0x6], $0x40, s14, s22, $0xb8;
	[tilespmem:$0x1F5C0] =	vst v63  }
0x63: {  	p2 =	sge.u32 @!p1 s12, s13;
	_ =	swait.ge [sflag:s18], $0x2000  }
0x64: {  	p1 =	por p2, p1;
	[sflag:s18] =	ssyncset.done $0x0  }
0x65: {  	s12 =	simm.s32 @!p1 $0x80;
	s15 =	simm.s32 @!p1 $0x14000;
	[sflag:s18] =	ssyncadd.s32 $0xFFFFE000  }
0x66: {  	[spmem:s3] =	stream.indirect.scatter.add.f32 @!p1 [tilespmem:s15], [sflag:$0x6], $0x8, s14, s12, $0xb8;
	[tilespmem:$0x1F5C0] =	vst v63  }
0x67: {  	s12 =	simm.s32 @!p1 $0x6  }
0x68: {  	_ =	swait.ge @!p1 [sflag:s12], $0x400  }
0x69: {  	[sflag:s12] =	ssyncset.done @!p1 $0x0  }
0x6a: {  	s14 =	simm.s32 @!p0 $0xE000;
	[sflag:s12] =	ssyncadd.s32 @!p1 $0xFFFFFC00;
	s12 =	sadd.s32 @!p0 $0x380, s10  }
0x6b: {  	[tilespmem:s14], [sflag:$0x3] =	stream.indirect.gather @!p0 [hbm4b:s5+s11], $0x40, s12, s11, $0xb8;
	[tilespmem:$0x1F5C0] =	vst v63  }
0x6c: {  	_ =	swait.ge [sflag:s21], $0x2000  }
0x6d: {  	s12 =	sadd.s32 $0xFFFFFFFF, s30;
	[sflag:s21] =	ssyncset.done $0x0  }
0x6e: {  	s14 =	sadd.s32 $0x5180, s7;
	p1 =	slt.u32 s12, s9;
	[sflag:s21] =	ssyncadd.s32 $0xFFFFE000  }
0x6f: {  	[spmem:s2] =	stream.indirect.scatter.add.f32 [tilespmem:s29], [sflag:$0x6], $0x40, s14, s22, $0xb8;
	[tilespmem:$0x1F5C0] =	vst v63  }
0x70: {  	p2 =	sge.u32 @!p1 s12, s13;
	_ =	swait.ge [sflag:s18], $0x2000  }
0x71: {  	p1 =	por p2, p1;
	[sflag:s18] =	ssyncset.done $0x0  }
0x72: {  	s12 =	simm.s32 @!p1 $0x80;
	s15 =	simm.s32 @!p1 $0x14000;
	[sflag:s18] =	ssyncadd.s32 $0xFFFFE000  }
0x73: {  	[spmem:s3] =	stream.indirect.scatter.add.f32 @!p1 [tilespmem:s15], [sflag:$0x6], $0x8, s14, s12, $0xb8;
	[tilespmem:$0x1F5C0] =	vst v63  }
0x74: {  	s12 =	simm.s32 @!p1 $0x6  }
0x75: {  	_ =	swait.ge @!p1 [sflag:s12], $0x400  }
0x76: {  	[sflag:s12] =	ssyncset.done @!p1 $0x0  }
0x77: {  	s10 =	sadd.s32 @!p0 $0x400, s10;
	[sflag:s12] =	ssyncadd.s32 @!p1 $0xFFFFFC00;
	s12 =	simm.s32 @!p0 $0x10000  }
0x78: {  	[tilespmem:s12], [sflag:$0x4] =	stream.indirect.gather @!p0 [hbm4b:s5+s11], $0x40, s10, s11, $0xb8;
	[tilespmem:$0x1F5C0] =	vst v63  }
0x79: {  	_ =	swait.ge [sflag:s25], $0x2000  }
0x7a: {  	[sflag:s25] =	ssyncset.done $0x0  }
0x7b: {  	p1 =	slt.u32 s30, s9;
	s10 =	sadd.s32 $0x5200, s7;
	[sflag:s25] =	ssyncadd.s32 $0xFFFFE000  }
0x7c: {  	[spmem:s2] =	stream.indirect.scatter.add.f32 [tilespmem:s31], [sflag:$0x6], $0x40, s10, s22, $0xb8;
	[tilespmem:$0x1F5C0] =	vst v63  }
0x7d: {  	p2 =	sge.u32 @!p1 s30, s13;
	_ =	swait.ge [sflag:s18], $0x2000  }
0x7e: {  	p1 =	por p2, p1;
	[sflag:s18] =	ssyncset.done $0x0  }
0x7f: {  	s11 =	simm.s32 @!p1 $0x80;
	s12 =	simm.s32 @!p1 $0x14000;
	[sflag:s18] =	ssyncadd.s32 $0xFFFFE000  }
0x80: {  	[spmem:s3] =	stream.indirect.scatter.add.f32 @!p1 [tilespmem:s12], [sflag:$0x6], $0x8, s10, s11, $0xb8;
	[tilespmem:$0x1F5C0] =	vst v63  }
.Ltmp2:
0x81: {  	_ = 	snop;
	(pc) =	sbr.rel @p0 .LBB2_4-.Ltmp2, $4  }
0x82: {  	s10 =	simm.s32 @!p1 $0x6  }
0x83: {  	_ =	swait.ge @!p1 [sflag:s10], $0x400  }
0x84: {  	[sflag:s10] =	ssyncset.done @!p1 $0x0  }
0x85: {  	[sflag:s10] =	ssyncadd.s32 @!p1 $0xFFFFFC00  }
.Ltmp3:
0x86: {  	(pc) =	sbr.rel .LBB2_2-.Ltmp3, $3  }
0x87: {  	_ =	sdelay $0x1  }
0x88: {  	s7 =	sadd.s32 $0x480, s7;
	s6 =	sadd.s32 $0xA00, s6;
	s30 =	sadd.s32 $0x5, s30  }
0x89: {  	[tilespmem:s31], [sflag:$0x5] =	stream.indirect.gather [hbm4b:s5+s22], $0x40, s7, s22, $0xb8;
	[tilespmem:$0x1F5C0] =	vst v63  }
.LBB2_5:
0x8a: {  	_ =	sfence.sel $0x180000  }
0x8b: {  	[bflag:$0x0] =	sbarrier.arrive $0xFFFF  }
0x8c: {  	_ =	strace $0x90000047  }
0x8d: {  	s0 =	stileid.u32;
	[bflag:$0x2] =	sbarrier.arrive $0xFFFF  }
0x8e: {  	p0 =	sne.s32 s0, $0x0;
	s0 =	rddreg [dreg:$0x3]  }
0x8f: {  	s0 =	sadd.s32 @!p0 $0x100000, s0  }
0x90: {  	[sflag:s0] =	ssyncadd.tile.s32 @!p0 $0x1;
	_ =	shalt  }
.Lfunc_end2:
_tile_overlayer_lowered:
.L_overlay_start_2:
0x91: {  	(tag) =	ssettag $0x2  }
0x92: {  	s0 =	rddreg [dreg:$0x0];
	s2 =	stileid.u32  }
0x93: {  	s1 =	rddreg [dreg:$0x1];
	p0 =	sne.s32 s2, $0x0  }
0x94: {  	s3 =	rddreg [dreg:$0x2];
	[bflag:$0x3] =	sbarrier.arrive $0xFFFF;
	s2 =	simm.s32 @!p0 $0x1C06  }
0x95: {  	[timem:s3], [sflag:s2] =	dma.local @!p0 [hbm:s0], s1  }
0x96: {  	s0 =	simm.s32 @!p0 $0x6  }
0x97: {  	_ =	swait.ge @!p0 [sflag:s0], s1  }
0x98: {  	s1 =	ssub.s32 @!p0 $0x0, s1;
	[sflag:s0] =	ssyncset.done @!p0 $0x0  }
0x99: {  	[sflag:s0] =	ssyncadd.s32 @!p0 s1  }
0x9a: {  	[bflag:$0x3] =	sbarrier.arrive $0xFFFF  }
0x9b: {  	_ =	shalt  }

// kernel: kernel.9.cloned.1.call-start
scs
__scs_entry_jumppad:
0x0: {  	(pc) =	sbr.rel $0x88, $3  }
0x1: {  	(tag) =	ssettag $0x0;
	lr =	simm.s32 $0x1  }
0x2: {  	[smem:$0x3F93] =	sst lr;
	_ =	strace $0xD0000000  }
0x3: {  	_ = 	snop  }
0x4: {  	_ = 	snop  }
0x5: {  	_ = 	snop  }
0x6: {  	_ = 	snop  }
0x7: {  	_ = 	snop  }
__scs_overlays_trampoline_lowered:
0x8: {  	[smem:$0x3FA2] =	sst s0  }
0x9: {  	[smem:$0x3FA3] =	sst s1  }
0xa: {  	[smem:$0x3FA4] =	sst s2  }
0xb: {  	[smem:$0x3FA5] =	sst s3  }
0xc: {  	[smem:$0x3FA6] =	sst s4  }
0xd: {  	[smem:$0x3FA7] =	sst s5  }
0xe: {  	[smem:$0x3FA8] =	sst s6  }
0xf: {  	[smem:$0x3FA9] =	sst s7  }
0x10: {  	[smem:$0x3FAA] =	sst s8  }
0x11: {  	[smem:$0x3FAB] =	sst s9;
	s0 =	simm.s32 @!p0 $0x0  }
0x12: {  	s1 =	sld [smem:$0x3F91];
	s0 =	simm.s32 @p0 $0x1  }
0x13: {  	[smem:$0x3FAC] =	sst s0;
	s0 =	simm.s32 @!p1 $0x0  }
0x14: {  	s2 =	sld [smem:$0x3F90];
	s0 =	simm.s32 @p1 $0x1  }
0x15: {  	[smem:$0x3FAD] =	sst s0;
	s0 =	simm.s32 @!p2 $0x0  }
0x16: {  	s3 =	sld [smem:$0x3FDB];
	s0 =	simm.s32 @p2 $0x1  }
0x17: {  	s4 =	simm.s32 $0x1BF5;
	[smem:$0x3FAF] =	sst s0  }
0x18: {  	s0 =	sld [smem:$0x3F92];
	_ =	swait.ge [sflag:s4], $0x0  }
0x19: {  	s7 =	sld [smem:$0x3F93]  }
0x1a: {  	s8 =	sadd.s32 $0xFFFFE003, lr  }
0x1b: {  	s9 =	sadd.s32 $0xFFFFFEF7, lr;
	s5 =	simm.s32 $0xFFFFFFFF;
	p2 =	slt.u32 s8, $0xFFFFF086  }
0x1c: {  	p1 =	slt.u32 s9, $0xF7A;
	s5 =	simm.s32 @!p2 $0x0  }
0x1d: {  	s5 =	simm.s32 @p1 $0x1;
	p0 =	seq.s32 s7, s2  }
0x1e: {  	s7 =	smul.u32 @!p0 $0xF7A, s2;
	p2 =	seq.s32 @!p0 s5, $0x0  }
0x1f: {  	s9 =	smul.u32 $0xF7A, s1;
	s8 =	simm.s32 @!p0 $0x1BF5;
	p2 =	por !p2, p0  }
0x20: {  	[sflag:s8] =	ssyncset.s32 @!p0 $0xFFFFF086;
	s6 =	sadd.s32 @!p0 s3, s7;
	s7 =	simm.s32 @!p0 $0x108  }
0x21: {  	s3 =	sadd.s32 s3, s9;
	s6 =	sadd.s32 @!p0 $0x88, s6;
	s7 =	simm.s32 @p2 $0x1082  }
0x22: {  	[simem:s7], [sflag:s8] =	dma.local @!p0 [hbm:s6], $0xF7A  }
0x23: {  	s9 =	sor.u32 $0xD0000000, s2;
	s6 =	simm.s32 $0x108;
	_ =	swait.ge @!p0 [sflag:s8], $0x0  }
0x24: {  	s3 =	sadd.s32 $0x88, s3;
	s6 =	simm.s32 @!p1 $0x1082;
	[sflag:s4] =	ssyncset.s32 $0xFFFFF086  }
0x25: {  	[simem:s6], [sflag:s4] =	dma.local [hbm:s3], $0xF7A  }
0x26: {  	[smem:$0x3F93] =	sst s1;
	(tag) =	ssettag s2;
	_ =	strace s9  }
0x27: {  	s1 =	sld [smem:$0x3FA3]  }
0x28: {  	s2 =	sld [smem:$0x3FA4]  }
0x29: {  	s4 =	sld [smem:$0x3FA6]  }
0x2a: {  	p0 =	seq.s32 s5, $0x0;
	s5 =	sld [smem:$0x3FA7]  }
0x2b: {  	s6 =	sld [smem:$0x3FA8]  }
0x2c: {  	s7 =	sld [smem:$0x3FA9]  }
0x2d: {  	s3 =	simm.s32 $0x108;
	s8 =	sld [smem:$0x3FAA]  }
0x2e: {  	s3 =	simm.s32 @!p0 $0x1082;
	s9 =	sld [smem:$0x3FAB]  }
0x2f: {  	lr =	sadd.s32 s0, s3;
	s0 =	sld [smem:$0x3FA2]  }
0x30: {  	s3 =	sld [smem:$0x3FA5]  }
0x31: {  	[smem:$0x3FAE] =	sst s10  }
0x32: {  	s10 =	sld [smem:$0x3FAC];
	_ =	sdelay $0x3  }
0x33: {  	p0 =	seq.s32 s10, $0x1;
	s10 =	sld [smem:$0x3FAE];
	_ =	sdelay $0x3  }
0x34: {  	[smem:$0x3FAE] =	sst s10  }
0x35: {  	s10 =	sld [smem:$0x3FAD];
	_ =	sdelay $0x3  }
0x36: {  	p1 =	seq.s32 s10, $0x1;
	s10 =	sld [smem:$0x3FAE];
	_ =	sdelay $0x3  }
0x37: {  	[smem:$0x3FAE] =	sst s10  }
0x38: {  	s10 =	sld [smem:$0x3FAF]  }
0x39: {  	_ = 	snop;
	(pc) =	sbr.ind lr, $3  }
0x3a: {  	_ = 	snop  }
0x3b: {  	_ = 	snop  }
0x3c: {  	p2 =	seq.s32 s10, $0x1;
	s10 =	sld [smem:$0x3FAE]  }
0x3d: {  	_ =	shalt  }
0x3e: {  	_ =	shalt  }
0x3f: {  	_ =	shalt  }
0x40: {  	_ =	shalt  }
0x41: {  	_ =	shalt  }
0x42: {  	_ =	shalt  }
0x43: {  	_ =	shalt  }
0x44: {  	_ =	shalt  }
0x45: {  	_ =	shalt  }
0x46: {  	_ =	shalt  }
0x47: {  	_ =	shalt  }
0x48: {  	_ =	shalt  }
0x49: {  	_ =	shalt  }
0x4a: {  	_ =	shalt  }
0x4b: {  	_ =	shalt  }
0x4c: {  	_ =	shalt  }
0x4d: {  	_ =	shalt  }
0x4e: {  	_ =	shalt  }
0x4f: {  	_ =	shalt  }
0x50: {  	_ =	shalt  }
0x51: {  	_ =	shalt  }
0x52: {  	_ =	shalt  }
0x53: {  	_ =	shalt  }
0x54: {  	_ =	shalt  }
0x55: {  	_ =	shalt  }
0x56: {  	_ =	shalt  }
0x57: {  	_ =	shalt  }
0x58: {  	_ =	shalt  }
0x59: {  	_ =	shalt  }
0x5a: {  	_ =	shalt  }
0x5b: {  	_ =	shalt  }
0x5c: {  	_ =	shalt  }
0x5d: {  	_ =	shalt  }
0x5e: {  	_ =	shalt  }
0x5f: {  	_ =	shalt  }
0x60: {  	_ =	shalt  }
0x61: {  	_ =	shalt  }
0x62: {  	_ =	shalt  }
0x63: {  	_ =	shalt  }
0x64: {  	_ =	shalt  }
0x65: {  	_ =	shalt  }
0x66: {  	_ =	shalt  }
0x67: {  	_ =	shalt  }
0x68: {  	_ =	shalt  }
0x69: {  	_ =	shalt  }
0x6a: {  	_ =	shalt  }
0x6b: {  	_ =	shalt  }
0x6c: {  	_ =	shalt  }
0x6d: {  	_ =	shalt  }
0x6e: {  	_ =	shalt  }
0x6f: {  	_ =	shalt  }
0x70: {  	_ =	shalt  }
0x71: {  	_ =	shalt  }
0x72: {  	_ =	shalt  }
0x73: {  	_ =	shalt  }
0x74: {  	_ =	shalt  }
0x75: {  	_ =	shalt  }
0x76: {  	_ =	shalt  }
0x77: {  	_ =	shalt  }
0x78: {  	_ =	shalt  }
0x79: {  	_ =	shalt  }
0x7a: {  	_ =	shalt  }
0x7b: {  	_ =	shalt  }
0x7c: {  	_ =	shalt  }
0x7d: {  	_ =	shalt  }
0x7e: {  	_ =	shalt  }
0x7f: {  	_ =	shalt  }
0x80: {  	_ =	shalt  }
0x81: {  	_ =	shalt  }
0x82: {  	_ =	shalt  }
0x83: {  	_ =	shalt  }
0x84: {  	_ =	shalt  }
0x85: {  	_ =	shalt  }
0x86: {  	_ =	shalt  }
0x87: {  	_ =	shalt  }
.Lfunc_end0:
.L_simem_size_0:
called_computation.1_lowered:
.L_overlay_start_0:
0x88: {  	s2 =	sld [smem:$0x3FD9]  }
0x89: {  	s3 =	sld [smem:$0x3FFE];
	_ =	sdelay $0x1  }
0x8a: {  	s1 =	srdreg.scid  }
0x8b: {  	s0 =	sand.u32 $0x1, s1  }
0x8c: {  	s16 =	sshll.u32 s0, $0xA;
	s2 =	sadd.s32 s3, s2  }
0x8d: {  	s2 =	sadd.s32 s2, s16  }
0x8e: {  	[smem:$0x3FBA] =	sst s2  }
0x8f: {  	_ = 	snop  }
0x90: {  	(tm) =	ssettm $0x1  }
0x91: {  	s17 =	sld [smem:$0x3FFB];
	_ =	sdelay $0x3  }
0x92: {  	_ =	strace s17  }
0x93: {  	s2 =	sld [smem:$0x3FFC];
	_ =	sdelay $0x3  }
0x94: {  	_ =	strace s2  }
0x95: {  	s2 =	sld [smem:$0x3FFD];
	_ =	sdelay $0x3  }
0x96: {  	_ =	strace s2  }
0x97: {  	_ =	strace $0x8FFFFFFF  }
0x98: {  	s18 =	sld [smem:$0x3FDB];
	_ =	sdelay $0x1  }
0x99: {  	s19 =	simm.s32 $_scs_section_size  }
0x9a: {  	s4 =	simm.s32 $_size__tile_overlayer_lowered;
	s5 =	simm.s32 $_tile_overlayer_lowered  }
0x9b: {  	s22 =	simm.s32 $0x1BFF;
	s21 =	sshll.u32 s5, $0x1;
	s2 =	sadd.s32 s19, s18  }
0x9c: {  	s6 =	simm.s32 $0x0;
	s20 =	sshll.u32 s4, $0x1;
	s4 =	sadd.s32 s21, s2  }
0x9d: {  	[timem:s6], [sflag:s22] =	dma.local [hbm:s4], s20  }
0x9e: {  	_ =	swait.ge [sflag:s22], s20  }
0x9f: {  	s3 =	ssub.s32 $0x0, s20;
	[sflag:s22] =	ssyncset.done $0x0  }
0xa0: {  	[sflag:s22] =	ssyncadd.s32 s3;
	_ =	sdelay $0x1  }
0xa1: {  	s23 =	simm.s32 $0x1B8B  }
0xa2: {  	_ =	swait.ge [sflag:s23], $0x1  }
0xa3: {  	[sflag:s23] =	ssyncset.done $0x0  }
0xa4: {  	s25 =	simm.s32 $0x1B8E;
	s24 =	sld [smem:$0x3FFE];
	[sflag:s23] =	ssyncadd.s32 $0xFFFFFFFF  }
0xa5: {  	s26 =	simm.s32 $execute0_lowered;
	[smem:$0x3FD2] =	sst s25  }
0xa6: {  	s4 =	sshll.u32 s26, $0x1;
	_ =	strace $0x80000049;
	[dreg:$0x1] =	wrdreg $0xFFFFFFFF  }
0xa7: {  	s28 =	simm.s32 $_size_execute0_lowered;
	s2 =	sadd.s32 s2, s4;
	[dreg:$0x0] =	wrdreg $0x0  }
0xa8: {  	s4 =	sshll.u32 s28, $0x1;
	[dreg:$0x2] =	wrdreg s2  }
0xa9: {  	[dreg:$0x3] =	wrdreg s4  }
0xaa: {  	[dreg:$0x4] =	wrdreg $0xC0  }
0xab: {  	_ =	task [dreg:s6], $0x5FFFF  }
0xac: {  	[dreg:$0x1] =	wrdreg $0xFFFFFFFF  }
0xad: {  	[dreg:$0x0] =	wrdreg $0x60  }
0xae: {  	[dreg:$0x2] =	wrdreg s24  }
0xaf: {  	[dreg:$0x3] =	wrdreg $0x140000  }
0xb0: {  	[dreg:$0x4] =	wrdreg $0x9  }
0xb1: {  	_ =	task.clear_ibuf [dreg:s6], $0x5FFFF;
	_ =	strace $0x90000049  }
0xb2: {  	s29 =	simm.s32 $0x9;
	_ =	strace $0x8000004B  }
0xb3: {  	_ =	swait.ge [sflag:s29], $0x1  }
0xb4: {  	[sflag:s29] =	ssyncadd.s32 $0xFFFFFFFF  }
0xb5: {  	_ =	strace $0x9000004B  }
0xb6: {  	_ =	sfence  }
0xb7: {  	s30 =	sld [smem:$0x0];
	_ =	sdelay $0x2  }
0xb8: {  	s31 =	sshll.u32 s1, $0xD;
	s1 =	sshrl.u32 s1, $0x2  }
0xb9: {  	s3 =	sand.u32 $0x4000, s31;
	s1 =	sadd.s32 s1, s30  }
0xba: {  	s0 =	sor.u32 s3, s0;
	s1 =	sshll.u32 s1, $0x11  }
0xbb: {  	s0 =	sor.u32 s1, s0  }
0xbc: {  	s0 =	sadd.s32 $0x8F2B, s0  }
0xbd: {  	[sflag:s0] =	ssyncadd.remote.s32 $0x1  }
0xbe: {  	_ =	sfence.sel $0xFFFF  }
0xbf: {  	[dreg:$0x0] =	wrdreg $0xFFFFFFFF;
	(pc) =	sbr.abs _section_cstart, $3  }
0xc0: {  	[dreg:$0x1] =	wrdreg $0xFFFFFFFF  }
0xc1: {  	_ =	task.clear_ibuf [dreg:s6], $0x2FFFF;
	_ =	strace $0x9FFFFFFF  }
0xc2: {  	(tm) =	ssettm $0x7FFFFFFF  }
0xc3: {  	_ =	shalt  }
tec
execute0_lowered:
.L_overlay_start_1:
0x0: {  	(tag) =	ssettag $0x1  }
0x1: {  	s0 =	rddreg [dreg:$0x0];
	s1 =	srdreg.scid  }
0x2: {  	s11 =	stileid.u32;
	s2 =	rddreg [dreg:$0x1];
	s3 =	simm.s32 $0x0  }
0x3: {  	s12 =	simm.s32 $0x6;
	s14 =	simm.s32 $0x80;
	s15 =	simm.s32 $0xA000  }
0x4: {  	s16 =	simm.s32 $0xC000;
	s18 =	simm.s32 $0xE000;
	s20 =	simm.s32 $0x10000  }
0x5: {  	s28 =	simm.s32 $0x5;
	s29 =	simm.s32 $0x9D80;
	s30 =	simm.s32 $0x9E00  }
0x6: {  	s31 =	simm.s32 $0x9E80;
	s13 =	simm.s32 $0x0;
	s4 =	smul.u32 $0x5000, s11  }
0x7: {  	s1 =	sand.u32 $0x1, s1;
	[smem:$0x7FF] =	sst s3;
	s6 =	smul.u32 $0x9E00, s11  }
0x8: {  	s25 =	sshll.u32 s11, $0x6;
	s5 =	smul.u32 $0x50000, s1;
	_ =	strace $0x8000004A  }
0x9: {  	s8 =	smul.u32 $0x9E000, s1;
	s1 =	ssub.s32 $0x2, s1;
	s7 =	sshrl.u32 s4, $0x3  }
0xa: {  	s22 =	sshrl.u32 s6, $0x3;
	s24 =	sshrl.u32 s1, $0x1;
	s26 =	sadd.s32 s6, s2  }
0xb: {  	s5 =	sadd.s32 s4, s5;
	s4 =	sadd.s32 $0x2C00, s0;
	s10 =	sadd.s32 s7, s0  }
0xc: {  	s23 =	sadd.s32 s6, s8;
	s1 =	ssub.s32 s1, s24;
	s6 =	sor.u32 $0x1C06, s25  }
0xd: {  	s11 =	sshrl.u32 s26, $0x3;
	s24 =	simm.s32 $0x2;
	s25 =	simm.s32 $0x3  }
0xe: {  	s26 =	simm.s32 $0x4;
	s5 =	sshrl.u32 s5, $0x3;
	s7 =	sshrl.u32 s23, $0x3  }
0xf: {  	s8 =	sadd.s32 $0x3DE00, s10;
	s10 =	smax.u32 s1, $0x1;
	s23 =	simm.s32 $0x1  }
0x10: {  	s1 =	simm.s32 $0x9F00;
	s9 =	sadd.s32 s5, s0;
	s5 =	sadd.s32 s22, s0  }
0x11: {  	s0 =	sadd.s32 s7, s0;
	s22 =	simm.s32 $0x12000;
	s5 =	sadd.s32 $0x47E00, s5  }
0x12: {  	s7 =	sadd.s32 $0x29E00, s9;
	s9 =	sadd.s32 $0x5BA00, s0;
	s0 =	simm.s32 $0x9F80  }
.LBB2_1:
0x13: {  	[spmem:s11], [sflag:s6] =	dma.local [hbm:s5], $0x13C0  }
0x14: {  	_ =	swait.ge [sflag:s12], $0x13C0  }
0x15: {  	[sflag:s12] =	ssyncset.done $0x0  }
0x16: {  	[sflag:s12] =	ssyncadd.s32 $0xFFFFEC40  }
0x17: {  	[tilespmem:s3], [sflag:$0x6] =	stream.linear.gather [hbm4b:s7+s3], $0x5000, $0x38;
	[tilespmem:$0x1DE00] =	vst v63  }
0x18: {  	_ =	swait.ge [sflag:s12], $0x5000  }
0x19: {  	[sflag:s12] =	ssyncset.done $0x0  }
0x1a: {  	s17 =	simm.s32 $0x5000;
	[sflag:s12] =	ssyncadd.s32 $0xFFFFB000  }
0x1b: {  	[tilespmem:s17], [sflag:$0x6] =	stream.linear.gather [hbm4b:s8+s3], $0x5000, $0x38;
	[tilespmem:$0x1DE00] =	vst v63  }
0x1c: {  	_ =	swait.ge [sflag:s12], $0x5000  }
0x1d: {  	[sflag:s12] =	ssyncset.done $0x0  }
0x1e: {  	[sflag:s12] =	ssyncadd.s32 $0xFFFFB000  }
0x1f: {  	[bflag:$0x0] =	sbarrier.arrive $0xFFFF  }
0x20: {  	[tilespmem:s15], [sflag:$0x1] =	stream.indirect.gather [hbm4b:s4+s14], $0x40, s3, s14, $0xb8;
	[tilespmem:$0x1DE00] =	vst v63  }
0x21: {  	_ = 	snop  }
0x22: {  	[tilespmem:s16], [sflag:$0x2] =	stream.indirect.gather [hbm4b:s4+s14], $0x40, s14, s14, $0xb8;
	[tilespmem:$0x1DE00] =	vst v63  }
0x23: {  	s19 =	simm.s32 $0x100  }
0x24: {  	[tilespmem:s18], [sflag:$0x3] =	stream.indirect.gather [hbm4b:s4+s14], $0x40, s19, s14, $0xb8;
	[tilespmem:$0x1DE00] =	vst v63  }
0x25: {  	s21 =	simm.s32 $0x180  }
0x26: {  	[tilespmem:s20], [sflag:$0x4] =	stream.indirect.gather [hbm4b:s4+s14], $0x40, s21, s14, $0xb8;
	[tilespmem:$0x1DE00] =	vst v63  }
0x27: {  	s19 =	simm.s32 $0x200  }
0x28: {  	[tilespmem:s22], [sflag:$0x5] =	stream.indirect.gather [hbm4b:s4+s14], $0x40, s19, s14, $0xb8;
	[tilespmem:$0x1DE00] =	vst v63  }
0x29: {  	_ =	swait.ge [sflag:s23], $0x2000  }
0x2a: {  	[sflag:s23] =	ssyncset.done $0x0  }
0x2b: {  	s21 =	simm.s32 $0x5000;
	[sflag:s23] =	ssyncadd.s32 $0xFFFFE000  }
0x2c: {  	[spmem:s2] =	stream.indirect.scatter.add.f32 [tilespmem:s15], [sflag:$0x6], $0x40, s21, s14, $0xb8;
	[tilespmem:$0x1DE00] =	vst v63  }
0x2d: {  	_ =	swait.ge [sflag:s12], $0x2000  }
0x2e: {  	[sflag:s12] =	ssyncset.done $0x0  }
0x2f: {  	s19 =	simm.s32 $0x280;
	[sflag:s12] =	ssyncadd.s32 $0xFFFFE000  }
0x30: {  	[tilespmem:s15], [sflag:$0x1] =	stream.indirect.gather [hbm4b:s4+s14], $0x40, s19, s14, $0xb8;
	[tilespmem:$0x1DE00] =	vst v63  }
0x31: {  	_ =	swait.ge [sflag:s24], $0x2000  }
0x32: {  	[sflag:s24] =	ssyncset.done $0x0  }
0x33: {  	s21 =	simm.s32 $0x5080;
	[sflag:s24] =	ssyncadd.s32 $0xFFFFE000  }
0x34: {  	[spmem:s2] =	stream.indirect.scatter.add.f32 [tilespmem:s16], [sflag:$0x6], $0x40, s21, s14, $0xb8;
	[tilespmem:$0x1DE00] =	vst v63  }
0x35: {  	_ =	swait.ge [sflag:s12], $0x2000  }
0x36: {  	[sflag:s12] =	ssyncset.done $0x0  }
0x37: {  	s19 =	simm.s32 $0x300;
	[sflag:s12] =	ssyncadd.s32 $0xFFFFE000  }
0x38: {  	[tilespmem:s16], [sflag:$0x2] =	stream.indirect.gather [hbm4b:s4+s14], $0x40, s19, s14, $0xb8;
	[tilespmem:$0x1DE00] =	vst v63  }
0x39: {  	_ =	swait.ge [sflag:s25], $0x2000  }
0x3a: {  	[sflag:s25] =	ssyncset.done $0x0  }
0x3b: {  	s21 =	simm.s32 $0x5100;
	[sflag:s25] =	ssyncadd.s32 $0xFFFFE000  }
0x3c: {  	[spmem:s2] =	stream.indirect.scatter.add.f32 [tilespmem:s18], [sflag:$0x6], $0x40, s21, s14, $0xb8;
	[tilespmem:$0x1DE00] =	vst v63  }
0x3d: {  	_ =	swait.ge [sflag:s12], $0x2000  }
0x3e: {  	[sflag:s12] =	ssyncset.done $0x0  }
0x3f: {  	s19 =	simm.s32 $0x380;
	[sflag:s12] =	ssyncadd.s32 $0xFFFFE000  }
0x40: {  	[tilespmem:s18], [sflag:$0x3] =	stream.indirect.gather [hbm4b:s4+s14], $0x40, s19, s14, $0xb8;
	[tilespmem:$0x1DE00] =	vst v63  }
0x41: {  	_ =	swait.ge [sflag:s26], $0x2000  }
0x42: {  	[sflag:s26] =	ssyncset.done $0x0  }
0x43: {  	s21 =	simm.s32 $0x5180;
	[sflag:s26] =	ssyncadd.s32 $0xFFFFE000  }
0x44: {  	[spmem:s2] =	stream.indirect.scatter.add.f32 [tilespmem:s20], [sflag:$0x6], $0x40, s21, s14, $0xb8;
	[tilespmem:$0x1DE00] =	vst v63  }
0x45: {  	_ =	swait.ge [sflag:s12], $0x2000  }
0x46: {  	[sflag:s12] =	ssyncset.done $0x0  }
0x47: {  	s19 =	simm.s32 $0x400;
	[sflag:s12] =	ssyncadd.s32 $0xFFFFE000  }
0x48: {  	[tilespmem:s20], [sflag:$0x4] =	stream.indirect.gather [hbm4b:s4+s14], $0x40, s19, s14, $0xb8;
	[tilespmem:$0x1DE00] =	vst v63  }
0x49: {  	_ =	swait.ge [sflag:s28], $0x2000  }
0x4a: {  	[sflag:s28] =	ssyncset.done $0x0  }
0x4b: {  	s21 =	simm.s32 $0x5200;
	[sflag:s28] =	ssyncadd.s32 $0xFFFFE000  }
0x4c: {  	[spmem:s2] =	stream.indirect.scatter.add.f32 [tilespmem:s22], [sflag:$0x6], $0x40, s21, s14, $0xb8;
	[tilespmem:$0x1DE00] =	vst v63  }
0x4d: {  	_ =	swait.ge [sflag:s12], $0x2000  }
0x4e: {  	[sflag:s12] =	ssyncset.done $0x0  }
0x4f: {  	s17 =	simm.s32 $0xA00;
	s19 =	simm.s32 $0x480;
	[sflag:s12] =	ssyncadd.s32 $0xFFFFE000  }
.LBB2_2:
0x50: {  	[tilespmem:s22], [sflag:$0x5] =	stream.indirect.gather [hbm4b:s4+s14], $0x40, s19, s14, $0xb8;
	[tilespmem:$0x1DE00] =	vst v63  }
0x51: {  	s19 =	smov.u32 s17  }
0x52: {  	p0 =	sne.s32 s17, $0x12C00;
	s17 =	sadd.s32 $0xA00, s17;
	_ =	swait.ge [sflag:s23], $0x2000  }
0x53: {  	s19 =	sshra.s32 s19, $0x2;
	[sflag:s23] =	ssyncset.done $0x0  }
0x54: {  	s21 =	sadd.s32 $0x5000, s19;
	[sflag:s23] =	ssyncadd.s32 $0xFFFFE000  }
0x55: {  	[spmem:s2] =	stream.indirect.scatter.add.f32 [tilespmem:s15], [sflag:$0x6], $0x40, s21, s14, $0xb8;
	[tilespmem:$0x1DE00] =	vst v63  }
0x56: {  	_ =	swait.ge [sflag:s12], $0x2000  }
0x57: {  	[sflag:s12] =	ssyncset.done $0x0  }
0x58: {  	s21 =	sadd.s32 $0x280, s19;
	[sflag:s12] =	ssyncadd.s32 $0xFFFFE000  }
0x59: {  	[tilespmem:s15], [sflag:$0x1] =	stream.indirect.gather [hbm4b:s4+s14], $0x40, s21, s14, $0xb8;
	[tilespmem:$0x1DE00] =	vst v63  }
0x5a: {  	_ =	swait.ge [sflag:s24], $0x2000  }
0x5b: {  	[sflag:s24] =	ssyncset.done $0x0  }
0x5c: {  	s21 =	sadd.s32 $0x5080, s19;
	[sflag:s24] =	ssyncadd.s32 $0xFFFFE000  }
0x5d: {  	[spmem:s2] =	stream.indirect.scatter.add.f32 [tilespmem:s16], [sflag:$0x6], $0x40, s21, s14, $0xb8;
	[tilespmem:$0x1DE00] =	vst v63  }
0x5e: {  	_ =	swait.ge [sflag:s12], $0x2000  }
0x5f: {  	[sflag:s12] =	ssyncset.done $0x0  }
0x60: {  	s21 =	sadd.s32 $0x300, s19;
	[sflag:s12] =	ssyncadd.s32 $0xFFFFE000  }
0x61: {  	[tilespmem:s16], [sflag:$0x2] =	stream.indirect.gather [hbm4b:s4+s14], $0x40, s21, s14, $0xb8;
	[tilespmem:$0x1DE00] =	vst v63  }
0x62: {  	_ =	swait.ge [sflag:s25], $0x2000  }
0x63: {  	[sflag:s25] =	ssyncset.done $0x0  }
0x64: {  	s21 =	sadd.s32 $0x5100, s19;
	[sflag:s25] =	ssyncadd.s32 $0xFFFFE000  }
0x65: {  	[spmem:s2] =	stream.indirect.scatter.add.f32 [tilespmem:s18], [sflag:$0x6], $0x40, s21, s14, $0xb8;
	[tilespmem:$0x1DE00] =	vst v63  }
0x66: {  	_ =	swait.ge [sflag:s12], $0x2000  }
0x67: {  	[sflag:s12] =	ssyncset.done $0x0  }
0x68: {  	s21 =	sadd.s32 $0x380, s19;
	[sflag:s12] =	ssyncadd.s32 $0xFFFFE000  }
0x69: {  	[tilespmem:s18], [sflag:$0x3] =	stream.indirect.gather [hbm4b:s4+s14], $0x40, s21, s14, $0xb8;
	[tilespmem:$0x1DE00] =	vst v63  }
0x6a: {  	_ =	swait.ge [sflag:s26], $0x2000  }
0x6b: {  	[sflag:s26] =	ssyncset.done $0x0  }
0x6c: {  	s21 =	sadd.s32 $0x5180, s19;
	[sflag:s26] =	ssyncadd.s32 $0xFFFFE000  }
0x6d: {  	[spmem:s2] =	stream.indirect.scatter.add.f32 [tilespmem:s20], [sflag:$0x6], $0x40, s21, s14, $0xb8;
	[tilespmem:$0x1DE00] =	vst v63  }
0x6e: {  	_ =	swait.ge [sflag:s12], $0x2000  }
0x6f: {  	[sflag:s12] =	ssyncset.done $0x0  }
0x70: {  	s21 =	sadd.s32 $0x400, s19;
	[sflag:s12] =	ssyncadd.s32 $0xFFFFE000  }
0x71: {  	[tilespmem:s20], [sflag:$0x4] =	stream.indirect.gather [hbm4b:s4+s14], $0x40, s21, s14, $0xb8;
	[tilespmem:$0x1DE00] =	vst v63  }
0x72: {  	_ =	swait.ge [sflag:s28], $0x2000  }
0x73: {  	[sflag:s28] =	ssyncset.done $0x0  }
.Ltmp0:
0x74: {  	s21 =	sadd.s32 $0x5200, s19;
	[sflag:s28] =	ssyncadd.s32 $0xFFFFE000;
	(pc) =	sbr.rel @p0 .LBB2_2-.Ltmp0, $4  }
0x75: {  	[spmem:s2] =	stream.indirect.scatter.add.f32 [tilespmem:s22], [sflag:$0x6], $0x40, s21, s14, $0xb8;
	[tilespmem:$0x1DE00] =	vst v63  }
0x76: {  	_ =	swait.ge [sflag:s12], $0x2000  }
0x77: {  	[sflag:s12] =	ssyncset.done $0x0  }
0x78: {  	s19 =	sadd.s32 $0x480, s19;
	[sflag:s12] =	ssyncadd.s32 $0xFFFFE000  }
0x79: {  	[tilespmem:s22], [sflag:$0x5] =	stream.indirect.gather [hbm4b:s4+s14], $0x40, s19, s14, $0xb8;
	[tilespmem:$0x1DE00] =	vst v63  }
0x7a: {  	_ =	swait.ge [sflag:s23], $0x2000  }
0x7b: {  	[sflag:s23] =	ssyncset.done $0x0  }
0x7c: {  	[sflag:s23] =	ssyncadd.s32 $0xFFFFE000  }
0x7d: {  	[spmem:s2] =	stream.indirect.scatter.add.f32 [tilespmem:s15], [sflag:$0x6], $0x40, s29, s14, $0xb8;
	[tilespmem:$0x1DE00] =	vst v63  }
0x7e: {  	_ =	swait.ge [sflag:s12], $0x2000  }
0x7f: {  	[sflag:s12] =	ssyncset.done $0x0  }
0x80: {  	[sflag:s12] =	ssyncadd.s32 $0xFFFFE000  }
0x81: {  	_ =	swait.ge [sflag:s24], $0x2000  }
0x82: {  	[sflag:s24] =	ssyncset.done $0x0  }
0x83: {  	[sflag:s24] =	ssyncadd.s32 $0xFFFFE000  }
0x84: {  	[spmem:s2] =	stream.indirect.scatter.add.f32 [tilespmem:s16], [sflag:$0x6], $0x40, s30, s14, $0xb8;
	[tilespmem:$0x1DE00] =	vst v63  }
0x85: {  	_ =	swait.ge [sflag:s12], $0x2000  }
0x86: {  	[sflag:s12] =	ssyncset.done $0x0  }
0x87: {  	[sflag:s12] =	ssyncadd.s32 $0xFFFFE000  }
0x88: {  	_ =	swait.ge [sflag:s25], $0x2000  }
0x89: {  	[sflag:s25] =	ssyncset.done $0x0  }
0x8a: {  	[sflag:s25] =	ssyncadd.s32 $0xFFFFE000  }
0x8b: {  	[spmem:s2] =	stream.indirect.scatter.add.f32 [tilespmem:s18], [sflag:$0x6], $0x40, s31, s14, $0xb8;
	[tilespmem:$0x1DE00] =	vst v63  }
0x8c: {  	_ =	swait.ge [sflag:s12], $0x2000  }
0x8d: {  	[sflag:s12] =	ssyncset.done $0x0  }
0x8e: {  	[sflag:s12] =	ssyncadd.s32 $0xFFFFE000  }
0x8f: {  	_ =	swait.ge [sflag:s26], $0x2000  }
0x90: {  	[sflag:s26] =	ssyncset.done $0x0  }
0x91: {  	[sflag:s26] =	ssyncadd.s32 $0xFFFFE000  }
0x92: {  	[spmem:s2] =	stream.indirect.scatter.add.f32 [tilespmem:s20], [sflag:$0x6], $0x40, s1, s14, $0xb8;
	[tilespmem:$0x1DE00] =	vst v63  }
0x93: {  	_ =	swait.ge [sflag:s12], $0x2000  }
0x94: {  	[sflag:s12] =	ssyncset.done $0x0  }
0x95: {  	[sflag:s12] =	ssyncadd.s32 $0xFFFFE000  }
0x96: {  	_ =	swait.ge [sflag:s28], $0x2000  }
0x97: {  	[sflag:s28] =	ssyncset.done $0x0  }
0x98: {  	[sflag:s28] =	ssyncadd.s32 $0xFFFFE000  }
0x99: {  	[spmem:s2] =	stream.indirect.scatter.add.f32 [tilespmem:s22], [sflag:$0x6], $0x40, s0, s14, $0xb8;
	[tilespmem:$0x1DE00] =	vst v63  }
0x9a: {  	_ =	swait.ge [sflag:s12], $0x2000  }
0x9b: {  	s13 =	sadd.s32 $0x1, s13;
	[sflag:s12] =	ssyncset.done $0x0  }
0x9c: {  	p0 =	sne.s32 s13, s10;
	[sflag:s12] =	ssyncadd.s32 $0xFFFFE000  }
.Ltmp1:
0x9d: {  	[bflag:$0x0] =	sbarrier.arrive $0xFFFF;
	(pc) =	sbr.rel @p0 .LBB2_1-.Ltmp1, $4  }
0x9e: {  	[hbm:s9], [sflag:s6] =	dma.local [spmem:s11], $0x13C0  }
0x9f: {  	_ =	swait.ge [sflag:s12], $0x13C0  }
0xa0: {  	[sflag:s12] =	ssyncset.done $0x0  }
0xa1: {  	[sflag:s12] =	ssyncadd.s32 $0xFFFFEC40  }
0xa2: {  	_ =	sfence.sel $0x180000  }
0xa3: {  	[bflag:$0x0] =	sbarrier.arrive $0xFFFF  }
0xa4: {  	_ =	strace $0x9000004A  }
0xa5: {  	s0 =	stileid.u32;
	[bflag:$0x2] =	sbarrier.arrive $0xFFFF  }
0xa6: {  	p0 =	sne.s32 s0, $0x0;
	s0 =	rddreg [dreg:$0x2]  }
0xa7: {  	s0 =	sadd.s32 @!p0 $0x100000, s0  }
0xa8: {  	[sflag:s0] =	ssyncadd.tile.s32 @!p0 $0x1;
	_ =	shalt  }
.Lfunc_end2:
_tile_overlayer_lowered:
.L_overlay_start_2:
0xa9: {  	(tag) =	ssettag $0x2  }
0xaa: {  	s0 =	rddreg [dreg:$0x0];
	s2 =	stileid.u32  }
0xab: {  	s1 =	rddreg [dreg:$0x1];
	p0 =	sne.s32 s2, $0x0  }
0xac: {  	s3 =	rddreg [dreg:$0x2];
	[bflag:$0x3] =	sbarrier.arrive $0xFFFF;
	s2 =	simm.s32 @!p0 $0x1C06  }
0xad: {  	[timem:s3], [sflag:s2] =	dma.local @!p0 [hbm:s0], s1  }
0xae: {  	s0 =	simm.s32 @!p0 $0x6  }
0xaf: {  	_ =	swait.ge @!p0 [sflag:s0], s1  }
0xb0: {  	s1 =	ssub.s32 @!p0 $0x0, s1;
	[sflag:s0] =	ssyncset.done @!p0 $0x0  }
0xb1: {  	[sflag:s0] =	ssyncadd.s32 @!p0 s1  }
0xb2: {  	[bflag:$0x3] =	sbarrier.arrive $0xFFFF  }
0xb3: {  	_ =	shalt  }

</sc_bundles>
